<compile_context>
chip_gen: v7x
topology: tpu7x:2x2x1
jax: 0.10.2.dev20260603
libtpu: 0.0.44.dev20260713+nightly
codegen_flags: <defaults>
</compile_context>

<pallas_src>
import functools

import jax
import jax.numpy as jnp
from jax import lax
from jax.experimental import pallas as pl
from jax.experimental.pallas import tpu as pltpu
from jax.experimental.pallas import tpu_sc as plsc

D = 128
NUM_WORKERS = 32
CHUNK = 128
NBUF = 4


def _make_gather(B):
    b_per_w = B // NUM_WORKERS
    n_chunks = b_per_w // CHUNK
    n_rounds = n_chunks // NBUF
    mesh = plsc.VectorSubcoreMesh(core_axis_name="c", subcore_axis_name="s")

    @functools.partial(
        pl.kernel,
        mesh=mesh,
        out_type=jax.ShapeDtypeStruct((B, D), jnp.float32),
        scratch_types=[
            pltpu.VMEM((NBUF, CHUNK), jnp.int32),
            pltpu.VMEM((NBUF, CHUNK, D), jnp.float32),
        ]
        + [pltpu.SemaphoreType.DMA] * (2 * NBUF),
    )
    def gather(idx_hbm, table_hbm, out_hbm, idx_v, rows_v, *sems):
        gsem = sems[:NBUF]
        ssem = sems[NBUF:]
        wid = lax.axis_index("s") * 2 + lax.axis_index("c")
        base = wid * b_per_w

        for b in range(NBUF):
            pltpu.sync_copy(idx_hbm.at[pl.ds(base + b * CHUNK, CHUNK)],
                            idx_v.at[b])
            pltpu.async_copy(table_hbm.at[idx_v.at[b]], rows_v.at[b], gsem[b])

        def body(r, carry):
            for b in range(NBUF):
                c_off = base + (r * NBUF + b) * CHUNK
                pltpu.make_async_copy(table_hbm.at[idx_v.at[b]],
                                      rows_v.at[b], gsem[b]).wait()
                pltpu.async_copy(rows_v.at[b],
                                 out_hbm.at[pl.ds(c_off, CHUNK)], ssem[b])

                @pl.when(r < n_rounds - 1)
                def _():
                    n_off = c_off + NBUF * CHUNK
                    pltpu.sync_copy(idx_hbm.at[pl.ds(n_off, CHUNK)],
                                    idx_v.at[b])
                    pltpu.make_async_copy(rows_v.at[b],
                                          out_hbm.at[pl.ds(c_off, CHUNK)],
                                          ssem[b]).wait()
                    pltpu.async_copy(table_hbm.at[idx_v.at[b]],
                                     rows_v.at[b], gsem[b])
            return carry

        lax.fori_loop(0, n_rounds, body, 0)

        last = base + (n_chunks - NBUF) * CHUNK
        for b in range(NBUF):
            pltpu.make_async_copy(
                rows_v.at[b],
                out_hbm.at[pl.ds(last + b * CHUNK, CHUNK)], ssem[b]).wait()

    return gather


def kernel(input_ids, wte):
    B = input_ids.shape[0] * input_ids.shape[1]
    idx = input_ids.reshape(B)
    table = wte.astype(jnp.float32)
    out = _make_gather(B)(idx, table)
    return out.reshape(input_ids.shape + (D,))

# --- scband reference (transcript-rebuilt; emitter-appended) ---
"""Pipeline reference for scband-embedding-18580028522994 (READ-ONLY COPY).

The authoritative reference and input builder live on the scoring server;
editing this copy changes nothing except your own understanding.
"""

import jax, jax.numpy as jnp
import numpy as np

VOCAB = 100000
EMBED_DIM = 128
BATCH = 4096
SEQ = 200


def setup_inputs(seed: int = 0) -> dict:
    key = jax.random.key(seed)
    k1, k2 = jax.random.split(key)
    input_ids = jax.random.randint(k1, (BATCH, SEQ), 0, VOCAB, dtype=jnp.int32)
    # wte is the learned embedding table; original checkpoint is fp16
    wte = (jax.random.normal(k2, (VOCAB, EMBED_DIM), dtype=jnp.float32) * 0.02).astype(jnp.float16)
    return {"input_ids": input_ids, "wte": wte}


def reference(input_ids, wte):
    # faithful translation of: out = transformer.wte(input_ids); return out.float()
    out = jnp.take(wte, input_ids, axis=0)
    return out.astype(jnp.float32)

if __name__ == "__main__":
    import jax
    _d = setup_inputs()
    print(jax.jit(kernel)(*tuple(_d.values())))

</pallas_src>

<mosaic_0001>
#map = affine_map<(d0, d1) -> (0)>
#map1 = affine_map<(d0, d1) -> (0, 0)>
module attributes {stable_mosaic.version = 14 : i64} {
  func.func @gather(%arg0: i32, %arg1: i32, %arg2: memref<819200xi32, #tpu.memory_space<hbm>>, %arg3: memref<100000x128xf32, #tpu.memory_space<hbm>>, %arg4: memref<819200x128xf32, #tpu.memory_space<hbm>>, %arg5: memref<4x128xi32, #tpu.memory_space<vmem>>, %arg6: memref<4x128x128xf32, #tpu.memory_space<vmem>>, %arg7: memref<!tpu.dma_semaphore, #tpu.memory_space<semaphore_mem>>, %arg8: memref<!tpu.dma_semaphore, #tpu.memory_space<semaphore_mem>>, %arg9: memref<!tpu.dma_semaphore, #tpu.memory_space<semaphore_mem>>, %arg10: memref<!tpu.dma_semaphore, #tpu.memory_space<semaphore_mem>>, %arg11: memref<!tpu.dma_semaphore, #tpu.memory_space<semaphore_mem>>, %arg12: memref<!tpu.dma_semaphore, #tpu.memory_space<semaphore_mem>>, %arg13: memref<!tpu.dma_semaphore, #tpu.memory_space<semaphore_mem>>, %arg14: memref<!tpu.dma_semaphore, #tpu.memory_space<semaphore_mem>>) attributes {dimension_semantics = [#tpu.dimension_semantics<core_parallel>, #tpu.dimension_semantics<subcore_parallel>], iteration_bounds = array<i64: 2, 16>, scalar_prefetch = 0 : i64, scratch_operands = 10 : i64, tpu.core_type = #tpu.core_type<sc_vector_subcore>, window_params = [{transform_indices = #map}, {transform_indices = #map1}, {transform_indices = #map1}]} {
    %mul3A = arith.constant 2 : i32
    %mul3A_0 = arith.muli %arg1, %mul3A : i32
    %add3A = arith.addi %mul3A_0, %arg0 : i32
    %mul3A_1 = arith.constant 25600 : i32
    %mul3A_2 = arith.muli %add3A, %mul3A_1 : i32
    %add3A_3 = arith.constant 0 : i32
    %add3A_4 = arith.addi %mul3A_2, %add3A_3 : i32
    %run_scoped3A = arith.constant 0 : i32
    "tpu.region"() ({
      %run_scoped3A_127 = tpu.sem_alloc : memref<!tpu.dma_semaphore, #tpu.memory_space<semaphore_mem>>
      %dma_start3A_128 = arith.constant 0 : i32
      %dma_start3A_129 = tpu.memref_slice %arg5[%run_scoped3A, %dma_start3A_128] : memref<4x128xi32, #tpu.memory_space<vmem>> -> memref<1x128xi32, #tpu.memory_space<vmem>>
      %dma_start3A_130 = tpu.memref_squeeze %dma_start3A_129 : memref<1x128xi32, #tpu.memory_space<vmem>> -> memref<128xi32, #tpu.memory_space<vmem>>
      %dma_start3A_131 = tpu.memref_slice %arg2[%add3A_4] : memref<819200xi32, #tpu.memory_space<hbm>> -> memref<128xi32, #tpu.memory_space<hbm>>
      %dma_start3A_132 = arith.constant 0 : i32
      %dma_start3A_133 = tpu.memref_slice %arg5[%run_scoped3A, %dma_start3A_132] : memref<4x128xi32, #tpu.memory_space<vmem>> -> memref<1x128xi32, #tpu.memory_space<vmem>>
      %dma_start3A_134 = tpu.memref_squeeze %dma_start3A_133 : memref<1x128xi32, #tpu.memory_space<vmem>> -> memref<128xi32, #tpu.memory_space<vmem>>
      %dma_start3A_135 = tpu.memref_slice %arg2[%add3A_4] : memref<819200xi32, #tpu.memory_space<hbm>> -> memref<128xi32, #tpu.memory_space<hbm>>
      tpu.enqueue_dma source(%dma_start3A_135 : memref<128xi32, #tpu.memory_space<hbm>>) target(%dma_start3A_134 : memref<128xi32, #tpu.memory_space<vmem>>) target_semaphore(%run_scoped3A_127 : memref<!tpu.dma_semaphore, #tpu.memory_space<semaphore_mem>>)
      %dma_wait3A_136 = arith.constant 0 : i32
      %dma_wait3A_137 = tpu.memref_slice %arg5[%run_scoped3A, %dma_wait3A_136] : memref<4x128xi32, #tpu.memory_space<vmem>> -> memref<1x128xi32, #tpu.memory_space<vmem>>
      %dma_wait3A_138 = tpu.memref_squeeze %dma_wait3A_137 : memref<1x128xi32, #tpu.memory_space<vmem>> -> memref<128xi32, #tpu.memory_space<vmem>>
      %dma_wait3A_139 = tpu.memref_slice %arg2[%add3A_4] : memref<819200xi32, #tpu.memory_space<hbm>> -> memref<128xi32, #tpu.memory_space<hbm>>
      %dma_wait3A_140 = arith.constant 0 : i32
      %dma_wait3A_141 = tpu.memref_slice %arg5[%run_scoped3A, %dma_wait3A_140] : memref<4x128xi32, #tpu.memory_space<vmem>> -> memref<1x128xi32, #tpu.memory_space<vmem>>
      %dma_wait3A_142 = tpu.memref_squeeze %dma_wait3A_141 : memref<1x128xi32, #tpu.memory_space<vmem>> -> memref<128xi32, #tpu.memory_space<vmem>>
      %dma_wait3A_143 = tpu.memref_slice %arg2[%add3A_4] : memref<819200xi32, #tpu.memory_space<hbm>> -> memref<128xi32, #tpu.memory_space<hbm>>
      tpu.wait_dma2 semaphore(%run_scoped3A_127 : memref<!tpu.dma_semaphore, #tpu.memory_space<semaphore_mem>>) src(%dma_wait3A_143 : memref<128xi32, #tpu.memory_space<hbm>>) dst(%dma_wait3A_142 : memref<128xi32, #tpu.memory_space<vmem>>)
      tpu.yield
    }) : () -> ()
    %dma_start3A = arith.constant 0 : i32
    %dma_start3A_5 = arith.constant 0 : i32
    %dma_start3A_6 = arith.constant 0 : i32
    %dma_start3A_7 = arith.constant 0 : i32
    %dma_start3A_8 = tpu.memref_slice %arg6[%dma_start3A_5, %dma_start3A_6, %dma_start3A_7] : memref<4x128x128xf32, #tpu.memory_space<vmem>> -> memref<1x128x128xf32, #tpu.memory_space<vmem>>
    %dma_start3A_9 = tpu.memref_squeeze %dma_start3A_8 : memref<1x128x128xf32, #tpu.memory_space<vmem>> -> memref<128x128xf32, #tpu.memory_space<vmem>>
    %dma_start3A_10 = arith.constant 0 : i32
    %dma_start3A_11 = tpu.memref_slice %arg5[%dma_start3A, %dma_start3A_10] : memref<4x128xi32, #tpu.memory_space<vmem>> -> memref<1x128xi32, #tpu.memory_space<vmem>>
    %dma_start3A_12 = tpu.memref_squeeze %dma_start3A_11 : memref<1x128xi32, #tpu.memory_space<vmem>> -> memref<128xi32, #tpu.memory_space<vmem>>
    %dma_start3A_13 = arith.constant 0 : i32
    %dma_start3A_14 = arith.constant 0 : i32
    %dma_start3A_15 = tpu.memref_slice %arg3[%dma_start3A_13, %dma_start3A_14] : memref<100000x128xf32, #tpu.memory_space<hbm>> -> memref<100000x128xf32, #tpu.memory_space<hbm>>
    tpu.enqueue_indirect_dma source(%dma_start3A_15 : memref<100000x128xf32, #tpu.memory_space<hbm>>) target(%dma_start3A_9 : memref<128x128xf32, #tpu.memory_space<vmem>>) offsets(%dma_start3A_12 : memref<128xi32, #tpu.memory_space<vmem>>) semaphore(%arg7 : memref<!tpu.dma_semaphore, #tpu.memory_space<semaphore_mem>>)
    %add3A_16 = arith.constant 128 : i32
    %add3A_17 = arith.addi %mul3A_2, %add3A_16 : i32
    %run_scoped3A_18 = arith.constant 1 : i32
    "tpu.region"() ({
      %run_scoped3A_127 = tpu.sem_alloc : memref<!tpu.dma_semaphore, #tpu.memory_space<semaphore_mem>>
      %dma_start3A_128 = arith.constant 0 : i32
      %dma_start3A_129 = tpu.memref_slice %arg5[%run_scoped3A_18, %dma_start3A_128] : memref<4x128xi32, #tpu.memory_space<vmem>> -> memref<1x128xi32, #tpu.memory_space<vmem>>
      %dma_start3A_130 = tpu.memref_squeeze %dma_start3A_129 : memref<1x128xi32, #tpu.memory_space<vmem>> -> memref<128xi32, #tpu.memory_space<vmem>>
      %dma_start3A_131 = tpu.memref_slice %arg2[%add3A_17] : memref<819200xi32, #tpu.memory_space<hbm>> -> memref<128xi32, #tpu.memory_space<hbm>>
      %dma_start3A_132 = arith.constant 0 : i32
      %dma_start3A_133 = tpu.memref_slice %arg5[%run_scoped3A_18, %dma_start3A_132] : memref<4x128xi32, #tpu.memory_space<vmem>> -> memref<1x128xi32, #tpu.memory_space<vmem>>
      %dma_start3A_134 = tpu.memref_squeeze %dma_start3A_133 : memref<1x128xi32, #tpu.memory_space<vmem>> -> memref<128xi32, #tpu.memory_space<vmem>>
      %dma_start3A_135 = tpu.memref_slice %arg2[%add3A_17] : memref<819200xi32, #tpu.memory_space<hbm>> -> memref<128xi32, #tpu.memory_space<hbm>>
      tpu.enqueue_dma source(%dma_start3A_135 : memref<128xi32, #tpu.memory_space<hbm>>) target(%dma_start3A_134 : memref<128xi32, #tpu.memory_space<vmem>>) target_semaphore(%run_scoped3A_127 : memref<!tpu.dma_semaphore, #tpu.memory_space<semaphore_mem>>)
      %dma_wait3A_136 = arith.constant 0 : i32
      %dma_wait3A_137 = tpu.memref_slice %arg5[%run_scoped3A_18, %dma_wait3A_136] : memref<4x128xi32, #tpu.memory_space<vmem>> -> memref<1x128xi32, #tpu.memory_space<vmem>>
      %dma_wait3A_138 = tpu.memref_squeeze %dma_wait3A_137 : memref<1x128xi32, #tpu.memory_space<vmem>> -> memref<128xi32, #tpu.memory_space<vmem>>
      %dma_wait3A_139 = tpu.memref_slice %arg2[%add3A_17] : memref<819200xi32, #tpu.memory_space<hbm>> -> memref<128xi32, #tpu.memory_space<hbm>>
      %dma_wait3A_140 = arith.constant 0 : i32
      %dma_wait3A_141 = tpu.memref_slice %arg5[%run_scoped3A_18, %dma_wait3A_140] : memref<4x128xi32, #tpu.memory_space<vmem>> -> memref<1x128xi32, #tpu.memory_space<vmem>>
      %dma_wait3A_142 = tpu.memref_squeeze %dma_wait3A_141 : memref<1x128xi32, #tpu.memory_space<vmem>> -> memref<128xi32, #tpu.memory_space<vmem>>
      %dma_wait3A_143 = tpu.memref_slice %arg2[%add3A_17] : memref<819200xi32, #tpu.memory_space<hbm>> -> memref<128xi32, #tpu.memory_space<hbm>>
      tpu.wait_dma2 semaphore(%run_scoped3A_127 : memref<!tpu.dma_semaphore, #tpu.memory_space<semaphore_mem>>) src(%dma_wait3A_143 : memref<128xi32, #tpu.memory_space<hbm>>) dst(%dma_wait3A_142 : memref<128xi32, #tpu.memory_space<vmem>>)
      tpu.yield
    }) : () -> ()
    %dma_start3A_19 = arith.constant 1 : i32
    %dma_start3A_20 = arith.constant 1 : i32
    %dma_start3A_21 = arith.constant 0 : i32
    %dma_start3A_22 = arith.constant 0 : i32
    %dma_start3A_23 = tpu.memref_slice %arg6[%dma_start3A_20, %dma_start3A_21, %dma_start3A_22] : memref<4x128x128xf32, #tpu.memory_space<vmem>> -> memref<1x128x128xf32, #tpu.memory_space<vmem>>
    %dma_start3A_24 = tpu.memref_squeeze %dma_start3A_23 : memref<1x128x128xf32, #tpu.memory_space<vmem>> -> memref<128x128xf32, #tpu.memory_space<vmem>>
    %dma_start3A_25 = arith.constant 0 : i32
    %dma_start3A_26 = tpu.memref_slice %arg5[%dma_start3A_19, %dma_start3A_25] : memref<4x128xi32, #tpu.memory_space<vmem>> -> memref<1x128xi32, #tpu.memory_space<vmem>>
    %dma_start3A_27 = tpu.memref_squeeze %dma_start3A_26 : memref<1x128xi32, #tpu.memory_space<vmem>> -> memref<128xi32, #tpu.memory_space<vmem>>
    %dma_start3A_28 = arith.constant 0 : i32
    %dma_start3A_29 = arith.constant 0 : i32
    %dma_start3A_30 = tpu.memref_slice %arg3[%dma_start3A_28, %dma_start3A_29] : memref<100000x128xf32, #tpu.memory_space<hbm>> -> memref<100000x128xf32, #tpu.memory_space<hbm>>
    tpu.enqueue_indirect_dma source(%dma_start3A_30 : memref<100000x128xf32, #tpu.memory_space<hbm>>) target(%dma_start3A_24 : memref<128x128xf32, #tpu.memory_space<vmem>>) offsets(%dma_start3A_27 : memref<128xi32, #tpu.memory_space<vmem>>) semaphore(%arg8 : memref<!tpu.dma_semaphore, #tpu.memory_space<semaphore_mem>>)
    %add3A_31 = arith.constant 256 : i32
    %add3A_32 = arith.addi %mul3A_2, %add3A_31 : i32
    %run_scoped3A_33 = arith.constant 2 : i32
    "tpu.region"() ({
      %run_scoped3A_127 = tpu.sem_alloc : memref<!tpu.dma_semaphore, #tpu.memory_space<semaphore_mem>>
      %dma_start3A_128 = arith.constant 0 : i32
      %dma_start3A_129 = tpu.memref_slice %arg5[%run_scoped3A_33, %dma_start3A_128] : memref<4x128xi32, #tpu.memory_space<vmem>> -> memref<1x128xi32, #tpu.memory_space<vmem>>
      %dma_start3A_130 = tpu.memref_squeeze %dma_start3A_129 : memref<1x128xi32, #tpu.memory_space<vmem>> -> memref<128xi32, #tpu.memory_space<vmem>>
      %dma_start3A_131 = tpu.memref_slice %arg2[%add3A_32] : memref<819200xi32, #tpu.memory_space<hbm>> -> memref<128xi32, #tpu.memory_space<hbm>>
      %dma_start3A_132 = arith.constant 0 : i32
      %dma_start3A_133 = tpu.memref_slice %arg5[%run_scoped3A_33, %dma_start3A_132] : memref<4x128xi32, #tpu.memory_space<vmem>> -> memref<1x128xi32, #tpu.memory_space<vmem>>
      %dma_start3A_134 = tpu.memref_squeeze %dma_start3A_133 : memref<1x128xi32, #tpu.memory_space<vmem>> -> memref<128xi32, #tpu.memory_space<vmem>>
      %dma_start3A_135 = tpu.memref_slice %arg2[%add3A_32] : memref<819200xi32, #tpu.memory_space<hbm>> -> memref<128xi32, #tpu.memory_space<hbm>>
      tpu.enqueue_dma source(%dma_start3A_135 : memref<128xi32, #tpu.memory_space<hbm>>) target(%dma_start3A_134 : memref<128xi32, #tpu.memory_space<vmem>>) target_semaphore(%run_scoped3A_127 : memref<!tpu.dma_semaphore, #tpu.memory_space<semaphore_mem>>)
      %dma_wait3A_136 = arith.constant 0 : i32
      %dma_wait3A_137 = tpu.memref_slice %arg5[%run_scoped3A_33, %dma_wait3A_136] : memref<4x128xi32, #tpu.memory_space<vmem>> -> memref<1x128xi32, #tpu.memory_space<vmem>>
      %dma_wait3A_138 = tpu.memref_squeeze %dma_wait3A_137 : memref<1x128xi32, #tpu.memory_space<vmem>> -> memref<128xi32, #tpu.memory_space<vmem>>
      %dma_wait3A_139 = tpu.memref_slice %arg2[%add3A_32] : memref<819200xi32, #tpu.memory_space<hbm>> -> memref<128xi32, #tpu.memory_space<hbm>>
      %dma_wait3A_140 = arith.constant 0 : i32
      %dma_wait3A_141 = tpu.memref_slice %arg5[%run_scoped3A_33, %dma_wait3A_140] : memref<4x128xi32, #tpu.memory_space<vmem>> -> memref<1x128xi32, #tpu.memory_space<vmem>>
      %dma_wait3A_142 = tpu.memref_squeeze %dma_wait3A_141 : memref<1x128xi32, #tpu.memory_space<vmem>> -> memref<128xi32, #tpu.memory_space<vmem>>
      %dma_wait3A_143 = tpu.memref_slice %arg2[%add3A_32] : memref<819200xi32, #tpu.memory_space<hbm>> -> memref<128xi32, #tpu.memory_space<hbm>>
      tpu.wait_dma2 semaphore(%run_scoped3A_127 : memref<!tpu.dma_semaphore, #tpu.memory_space<semaphore_mem>>) src(%dma_wait3A_143 : memref<128xi32, #tpu.memory_space<hbm>>) dst(%dma_wait3A_142 : memref<128xi32, #tpu.memory_space<vmem>>)
      tpu.yield
    }) : () -> ()
    %dma_start3A_34 = arith.constant 2 : i32
    %dma_start3A_35 = arith.constant 2 : i32
    %dma_start3A_36 = arith.constant 0 : i32
    %dma_start3A_37 = arith.constant 0 : i32
    %dma_start3A_38 = tpu.memref_slice %arg6[%dma_start3A_35, %dma_start3A_36, %dma_start3A_37] : memref<4x128x128xf32, #tpu.memory_space<vmem>> -> memref<1x128x128xf32, #tpu.memory_space<vmem>>
    %dma_start3A_39 = tpu.memref_squeeze %dma_start3A_38 : memref<1x128x128xf32, #tpu.memory_space<vmem>> -> memref<128x128xf32, #tpu.memory_space<vmem>>
    %dma_start3A_40 = arith.constant 0 : i32
    %dma_start3A_41 = tpu.memref_slice %arg5[%dma_start3A_34, %dma_start3A_40] : memref<4x128xi32, #tpu.memory_space<vmem>> -> memref<1x128xi32, #tpu.memory_space<vmem>>
    %dma_start3A_42 = tpu.memref_squeeze %dma_start3A_41 : memref<1x128xi32, #tpu.memory_space<vmem>> -> memref<128xi32, #tpu.memory_space<vmem>>
    %dma_start3A_43 = arith.constant 0 : i32
    %dma_start3A_44 = arith.constant 0 : i32
    %dma_start3A_45 = tpu.memref_slice %arg3[%dma_start3A_43, %dma_start3A_44] : memref<100000x128xf32, #tpu.memory_space<hbm>> -> memref<100000x128xf32, #tpu.memory_space<hbm>>
    tpu.enqueue_indirect_dma source(%dma_start3A_45 : memref<100000x128xf32, #tpu.memory_space<hbm>>) target(%dma_start3A_39 : memref<128x128xf32, #tpu.memory_space<vmem>>) offsets(%dma_start3A_42 : memref<128xi32, #tpu.memory_space<vmem>>) semaphore(%arg9 : memref<!tpu.dma_semaphore, #tpu.memory_space<semaphore_mem>>)
    %add3A_46 = arith.constant 384 : i32
    %add3A_47 = arith.addi %mul3A_2, %add3A_46 : i32
    %run_scoped3A_48 = arith.constant 3 : i32
    "tpu.region"() ({
      %run_scoped3A_127 = tpu.sem_alloc : memref<!tpu.dma_semaphore, #tpu.memory_space<semaphore_mem>>
      %dma_start3A_128 = arith.constant 0 : i32
      %dma_start3A_129 = tpu.memref_slice %arg5[%run_scoped3A_48, %dma_start3A_128] : memref<4x128xi32, #tpu.memory_space<vmem>> -> memref<1x128xi32, #tpu.memory_space<vmem>>
      %dma_start3A_130 = tpu.memref_squeeze %dma_start3A_129 : memref<1x128xi32, #tpu.memory_space<vmem>> -> memref<128xi32, #tpu.memory_space<vmem>>
      %dma_start3A_131 = tpu.memref_slice %arg2[%add3A_47] : memref<819200xi32, #tpu.memory_space<hbm>> -> memref<128xi32, #tpu.memory_space<hbm>>
      %dma_start3A_132 = arith.constant 0 : i32
      %dma_start3A_133 = tpu.memref_slice %arg5[%run_scoped3A_48, %dma_start3A_132] : memref<4x128xi32, #tpu.memory_space<vmem>> -> memref<1x128xi32, #tpu.memory_space<vmem>>
      %dma_start3A_134 = tpu.memref_squeeze %dma_start3A_133 : memref<1x128xi32, #tpu.memory_space<vmem>> -> memref<128xi32, #tpu.memory_space<vmem>>
      %dma_start3A_135 = tpu.memref_slice %arg2[%add3A_47] : memref<819200xi32, #tpu.memory_space<hbm>> -> memref<128xi32, #tpu.memory_space<hbm>>
      tpu.enqueue_dma source(%dma_start3A_135 : memref<128xi32, #tpu.memory_space<hbm>>) target(%dma_start3A_134 : memref<128xi32, #tpu.memory_space<vmem>>) target_semaphore(%run_scoped3A_127 : memref<!tpu.dma_semaphore, #tpu.memory_space<semaphore_mem>>)
      %dma_wait3A_136 = arith.constant 0 : i32
      %dma_wait3A_137 = tpu.memref_slice %arg5[%run_scoped3A_48, %dma_wait3A_136] : memref<4x128xi32, #tpu.memory_space<vmem>> -> memref<1x128xi32, #tpu.memory_space<vmem>>
      %dma_wait3A_138 = tpu.memref_squeeze %dma_wait3A_137 : memref<1x128xi32, #tpu.memory_space<vmem>> -> memref<128xi32, #tpu.memory_space<vmem>>
      %dma_wait3A_139 = tpu.memref_slice %arg2[%add3A_47] : memref<819200xi32, #tpu.memory_space<hbm>> -> memref<128xi32, #tpu.memory_space<hbm>>
      %dma_wait3A_140 = arith.constant 0 : i32
      %dma_wait3A_141 = tpu.memref_slice %arg5[%run_scoped3A_48, %dma_wait3A_140] : memref<4x128xi32, #tpu.memory_space<vmem>> -> memref<1x128xi32, #tpu.memory_space<vmem>>
      %dma_wait3A_142 = tpu.memref_squeeze %dma_wait3A_141 : memref<1x128xi32, #tpu.memory_space<vmem>> -> memref<128xi32, #tpu.memory_space<vmem>>
      %dma_wait3A_143 = tpu.memref_slice %arg2[%add3A_47] : memref<819200xi32, #tpu.memory_space<hbm>> -> memref<128xi32, #tpu.memory_space<hbm>>
      tpu.wait_dma2 semaphore(%run_scoped3A_127 : memref<!tpu.dma_semaphore, #tpu.memory_space<semaphore_mem>>) src(%dma_wait3A_143 : memref<128xi32, #tpu.memory_space<hbm>>) dst(%dma_wait3A_142 : memref<128xi32, #tpu.memory_space<vmem>>)
      tpu.yield
    }) : () -> ()
    %dma_start3A_49 = arith.constant 3 : i32
    %dma_start3A_50 = arith.constant 3 : i32
    %dma_start3A_51 = arith.constant 0 : i32
    %dma_start3A_52 = arith.constant 0 : i32
    %dma_start3A_53 = tpu.memref_slice %arg6[%dma_start3A_50, %dma_start3A_51, %dma_start3A_52] : memref<4x128x128xf32, #tpu.memory_space<vmem>> -> memref<1x128x128xf32, #tpu.memory_space<vmem>>
    %dma_start3A_54 = tpu.memref_squeeze %dma_start3A_53 : memref<1x128x128xf32, #tpu.memory_space<vmem>> -> memref<128x128xf32, #tpu.memory_space<vmem>>
    %dma_start3A_55 = arith.constant 0 : i32
    %dma_start3A_56 = tpu.memref_slice %arg5[%dma_start3A_49, %dma_start3A_55] : memref<4x128xi32, #tpu.memory_space<vmem>> -> memref<1x128xi32, #tpu.memory_space<vmem>>
    %dma_start3A_57 = tpu.memref_squeeze %dma_start3A_56 : memref<1x128xi32, #tpu.memory_space<vmem>> -> memref<128xi32, #tpu.memory_space<vmem>>
    %dma_start3A_58 = arith.constant 0 : i32
    %dma_start3A_59 = arith.constant 0 : i32
    %dma_start3A_60 = tpu.memref_slice %arg3[%dma_start3A_58, %dma_start3A_59] : memref<100000x128xf32, #tpu.memory_space<hbm>> -> memref<100000x128xf32, #tpu.memory_space<hbm>>
    tpu.enqueue_indirect_dma source(%dma_start3A_60 : memref<100000x128xf32, #tpu.memory_space<hbm>>) target(%dma_start3A_54 : memref<128x128xf32, #tpu.memory_space<vmem>>) offsets(%dma_start3A_57 : memref<128xi32, #tpu.memory_space<vmem>>) semaphore(%arg10 : memref<!tpu.dma_semaphore, #tpu.memory_space<semaphore_mem>>)
    %scan3A = arith.constant 0 : i32
    %scan3A_61 = arith.constant 0 : i32
    %scan3A_62 = arith.constant 50 : i32
    %scan3A_63 = arith.addi %scan3A_61, %scan3A_62 : i32
    %scan3A_64 = arith.constant 1 : i32
    scf.for %scan3A_127 = %scan3A_61 to %scan3A_63 step %scan3A_64  : i32 {
      %mul3A_128 = arith.constant 4 : i32
      %mul3A_129 = arith.muli %scan3A_127, %mul3A_128 : i32
      %add3A_130 = arith.constant 0 : i32
      %add3A_131 = arith.addi %mul3A_129, %add3A_130 : i32
      %mul3A_132 = arith.constant 128 : i32
      %mul3A_133 = arith.muli %add3A_131, %mul3A_132 : i32
      %add3A_134 = arith.addi %mul3A_2, %mul3A_133 : i32
      %dma_wait3A_135 = arith.constant 0 : i32
      %dma_wait3A_136 = arith.constant 0 : i32
      %dma_wait3A_137 = arith.constant 0 : i32
      %dma_wait3A_138 = arith.constant 0 : i32
      %dma_wait3A_139 = tpu.memref_slice %arg6[%dma_wait3A_136, %dma_wait3A_137, %dma_wait3A_138] : memref<4x128x128xf32, #tpu.memory_space<vmem>> -> memref<1x128x128xf32, #tpu.memory_space<vmem>>
      %dma_wait3A_140 = tpu.memref_squeeze %dma_wait3A_139 : memref<1x128x128xf32, #tpu.memory_space<vmem>> -> memref<128x128xf32, #tpu.memory_space<vmem>>
      %dma_wait3A_141 = arith.constant 0 : i32
      %dma_wait3A_142 = tpu.memref_slice %arg5[%dma_wait3A_135, %dma_wait3A_141] : memref<4x128xi32, #tpu.memory_space<vmem>> -> memref<1x128xi32, #tpu.memory_space<vmem>>
      %dma_wait3A_143 = tpu.memref_squeeze %dma_wait3A_142 : memref<1x128xi32, #tpu.memory_space<vmem>> -> memref<128xi32, #tpu.memory_space<vmem>>
      %dma_wait3A_144 = arith.constant 0 : i32
      %dma_wait3A_145 = arith.constant 0 : i32
      %dma_wait3A_146 = tpu.memref_slice %arg3[%dma_wait3A_144, %dma_wait3A_145] : memref<100000x128xf32, #tpu.memory_space<hbm>> -> memref<100000x128xf32, #tpu.memory_space<hbm>>
      tpu.wait_indirect_dma semaphore(%arg7 : memref<!tpu.dma_semaphore, #tpu.memory_space<semaphore_mem>>) src(%dma_wait3A_146 : memref<100000x128xf32, #tpu.memory_space<hbm>>) dst(%dma_wait3A_140 : memref<128x128xf32, #tpu.memory_space<vmem>>)
      %dma_start3A_147 = arith.constant 0 : i32
      %dma_start3A_148 = arith.constant 0 : i32
      %dma_start3A_149 = arith.constant 0 : i32
      %dma_start3A_150 = tpu.memref_slice %arg6[%dma_start3A_147, %dma_start3A_148, %dma_start3A_149] : memref<4x128x128xf32, #tpu.memory_space<vmem>> -> memref<1x128x128xf32, #tpu.memory_space<vmem>>
      %dma_start3A_151 = tpu.memref_squeeze %dma_start3A_150 : memref<1x128x128xf32, #tpu.memory_space<vmem>> -> memref<128x128xf32, #tpu.memory_space<vmem>>
      %dma_start3A_152 = arith.constant 0 : i32
      %dma_start3A_153 = tpu.memref_slice %arg4[%add3A_134, %dma_start3A_152] : memref<819200x128xf32, #tpu.memory_space<hbm>> -> memref<128x128xf32, #tpu.memory_space<hbm>>
      %dma_start3A_154 = arith.constant 0 : i32
      %dma_start3A_155 = tpu.memref_slice %arg4[%add3A_134, %dma_start3A_154] : memref<819200x128xf32, #tpu.memory_space<hbm>> -> memref<128x128xf32, #tpu.memory_space<hbm>>
      %dma_start3A_156 = arith.constant 0 : i32
      %dma_start3A_157 = arith.constant 0 : i32
      %dma_start3A_158 = tpu.memref_slice %arg6[%dma_start3A_147, %dma_start3A_156, %dma_start3A_157] : memref<4x128x128xf32, #tpu.memory_space<vmem>> -> memref<1x128x128xf32, #tpu.memory_space<vmem>>
      %dma_start3A_159 = tpu.memref_squeeze %dma_start3A_158 : memref<1x128x128xf32, #tpu.memory_space<vmem>> -> memref<128x128xf32, #tpu.memory_space<vmem>>
      tpu.enqueue_dma source(%dma_start3A_159 : memref<128x128xf32, #tpu.memory_space<vmem>>) target(%dma_start3A_155 : memref<128x128xf32, #tpu.memory_space<hbm>>) target_semaphore(%arg11 : memref<!tpu.dma_semaphore, #tpu.memory_space<semaphore_mem>>)
      %lt3A = arith.constant 49 : i32
      %lt3A_160 = arith.cmpi slt, %scan3A_127, %lt3A : i32
      %convert_element_type3A = arith.extui %lt3A_160 : i1 to i32
      %cond3A = arith.constant 0 : i32
      %cond3A_161 = arith.cmpi ne, %convert_element_type3A, %cond3A : i32
      scf.if %cond3A_161 {
        %add3A_273 = arith.constant 512 : i32
        %add3A_274 = arith.addi %add3A_134, %add3A_273 : i32
        %run_scoped3A_275 = arith.constant 0 : i32
        "tpu.region"() ({
          %run_scoped3A_301 = tpu.sem_alloc : memref<!tpu.dma_semaphore, #tpu.memory_space<semaphore_mem>>
          %dma_start3A_302 = arith.constant 0 : i32
          %dma_start3A_303 = tpu.memref_slice %arg5[%run_scoped3A_275, %dma_start3A_302] : memref<4x128xi32, #tpu.memory_space<vmem>> -> memref<1x128xi32, #tpu.memory_space<vmem>>
          %dma_start3A_304 = tpu.memref_squeeze %dma_start3A_303 : memref<1x128xi32, #tpu.memory_space<vmem>> -> memref<128xi32, #tpu.memory_space<vmem>>
          %dma_start3A_305 = tpu.memref_slice %arg2[%add3A_274] : memref<819200xi32, #tpu.memory_space<hbm>> -> memref<128xi32, #tpu.memory_space<hbm>>
          %dma_start3A_306 = arith.constant 0 : i32
          %dma_start3A_307 = tpu.memref_slice %arg5[%run_scoped3A_275, %dma_start3A_306] : memref<4x128xi32, #tpu.memory_space<vmem>> -> memref<1x128xi32, #tpu.memory_space<vmem>>
          %dma_start3A_308 = tpu.memref_squeeze %dma_start3A_307 : memref<1x128xi32, #tpu.memory_space<vmem>> -> memref<128xi32, #tpu.memory_space<vmem>>
          %dma_start3A_309 = tpu.memref_slice %arg2[%add3A_274] : memref<819200xi32, #tpu.memory_space<hbm>> -> memref<128xi32, #tpu.memory_space<hbm>>
          tpu.enqueue_dma source(%dma_start3A_309 : memref<128xi32, #tpu.memory_space<hbm>>) target(%dma_start3A_308 : memref<128xi32, #tpu.memory_space<vmem>>) target_semaphore(%run_scoped3A_301 : memref<!tpu.dma_semaphore, #tpu.memory_space<semaphore_mem>>)
          %dma_wait3A_310 = arith.constant 0 : i32
          %dma_wait3A_311 = tpu.memref_slice %arg5[%run_scoped3A_275, %dma_wait3A_310] : memref<4x128xi32, #tpu.memory_space<vmem>> -> memref<1x128xi32, #tpu.memory_space<vmem>>
          %dma_wait3A_312 = tpu.memref_squeeze %dma_wait3A_311 : memref<1x128xi32, #tpu.memory_space<vmem>> -> memref<128xi32, #tpu.memory_space<vmem>>
          %dma_wait3A_313 = tpu.memref_slice %arg2[%add3A_274] : memref<819200xi32, #tpu.memory_space<hbm>> -> memref<128xi32, #tpu.memory_space<hbm>>
          %dma_wait3A_314 = arith.constant 0 : i32
          %dma_wait3A_315 = tpu.memref_slice %arg5[%run_scoped3A_275, %dma_wait3A_314] : memref<4x128xi32, #tpu.memory_space<vmem>> -> memref<1x128xi32, #tpu.memory_space<vmem>>
          %dma_wait3A_316 = tpu.memref_squeeze %dma_wait3A_315 : memref<1x128xi32, #tpu.memory_space<vmem>> -> memref<128xi32, #tpu.memory_space<vmem>>
          %dma_wait3A_317 = tpu.memref_slice %arg2[%add3A_274] : memref<819200xi32, #tpu.memory_space<hbm>> -> memref<128xi32, #tpu.memory_space<hbm>>
          tpu.wait_dma2 semaphore(%run_scoped3A_301 : memref<!tpu.dma_semaphore, #tpu.memory_space<semaphore_mem>>) src(%dma_wait3A_317 : memref<128xi32, #tpu.memory_space<hbm>>) dst(%dma_wait3A_316 : memref<128xi32, #tpu.memory_space<vmem>>)
          tpu.yield
        }) : () -> ()
        %dma_wait3A_276 = arith.constant 0 : i32
        %dma_wait3A_277 = arith.constant 0 : i32
        %dma_wait3A_278 = arith.constant 0 : i32
        %dma_wait3A_279 = tpu.memref_slice %arg6[%dma_wait3A_276, %dma_wait3A_277, %dma_wait3A_278] : memref<4x128x128xf32, #tpu.memory_space<vmem>> -> memref<1x128x128xf32, #tpu.memory_space<vmem>>
        %dma_wait3A_280 = tpu.memref_squeeze %dma_wait3A_279 : memref<1x128x128xf32, #tpu.memory_space<vmem>> -> memref<128x128xf32, #tpu.memory_space<vmem>>
        %dma_wait3A_281 = arith.constant 0 : i32
        %dma_wait3A_282 = tpu.memref_slice %arg4[%add3A_134, %dma_wait3A_281] : memref<819200x128xf32, #tpu.memory_space<hbm>> -> memref<128x128xf32, #tpu.memory_space<hbm>>
        %dma_wait3A_283 = arith.constant 0 : i32
        %dma_wait3A_284 = tpu.memref_slice %arg4[%add3A_134, %dma_wait3A_283] : memref<819200x128xf32, #tpu.memory_space<hbm>> -> memref<128x128xf32, #tpu.memory_space<hbm>>
        %dma_wait3A_285 = arith.constant 0 : i32
        %dma_wait3A_286 = arith.constant 0 : i32
        %dma_wait3A_287 = tpu.memref_slice %arg6[%dma_wait3A_276, %dma_wait3A_285, %dma_wait3A_286] : memref<4x128x128xf32, #tpu.memory_space<vmem>> -> memref<1x128x128xf32, #tpu.memory_space<vmem>>
        %dma_wait3A_288 = tpu.memref_squeeze %dma_wait3A_287 : memref<1x128x128xf32, #tpu.memory_space<vmem>> -> memref<128x128xf32, #tpu.memory_space<vmem>>
        tpu.wait_dma2 semaphore(%arg11 : memref<!tpu.dma_semaphore, #tpu.memory_space<semaphore_mem>>) src(%dma_wait3A_288 : memref<128x128xf32, #tpu.memory_space<vmem>>) dst(%dma_wait3A_284 : memref<128x128xf32, #tpu.memory_space<hbm>>)
        %dma_start3A_289 = arith.constant 0 : i32
        %dma_start3A_290 = arith.constant 0 : i32
        %dma_start3A_291 = arith.constant 0 : i32
        %dma_start3A_292 = arith.constant 0 : i32
        %dma_start3A_293 = tpu.memref_slice %arg6[%dma_start3A_290, %dma_start3A_291, %dma_start3A_292] : memref<4x128x128xf32, #tpu.memory_space<vmem>> -> memref<1x128x128xf32, #tpu.memory_space<vmem>>
        %dma_start3A_294 = tpu.memref_squeeze %dma_start3A_293 : memref<1x128x128xf32, #tpu.memory_space<vmem>> -> memref<128x128xf32, #tpu.memory_space<vmem>>
        %dma_start3A_295 = arith.constant 0 : i32
        %dma_start3A_296 = tpu.memref_slice %arg5[%dma_start3A_289, %dma_start3A_295] : memref<4x128xi32, #tpu.memory_space<vmem>> -> memref<1x128xi32, #tpu.memory_space<vmem>>
        %dma_start3A_297 = tpu.memref_squeeze %dma_start3A_296 : memref<1x128xi32, #tpu.memory_space<vmem>> -> memref<128xi32, #tpu.memory_space<vmem>>
        %dma_start3A_298 = arith.constant 0 : i32
        %dma_start3A_299 = arith.constant 0 : i32
        %dma_start3A_300 = tpu.memref_slice %arg3[%dma_start3A_298, %dma_start3A_299] : memref<100000x128xf32, #tpu.memory_space<hbm>> -> memref<100000x128xf32, #tpu.memory_space<hbm>>
        tpu.enqueue_indirect_dma source(%dma_start3A_300 : memref<100000x128xf32, #tpu.memory_space<hbm>>) target(%dma_start3A_294 : memref<128x128xf32, #tpu.memory_space<vmem>>) offsets(%dma_start3A_297 : memref<128xi32, #tpu.memory_space<vmem>>) semaphore(%arg7 : memref<!tpu.dma_semaphore, #tpu.memory_space<semaphore_mem>>)
      } else {
      }
      %mul3A_162 = arith.constant 4 : i32
      %mul3A_163 = arith.muli %scan3A_127, %mul3A_162 : i32
      %add3A_164 = arith.constant 1 : i32
      %add3A_165 = arith.addi %mul3A_163, %add3A_164 : i32
      %mul3A_166 = arith.constant 128 : i32
      %mul3A_167 = arith.muli %add3A_165, %mul3A_166 : i32
      %add3A_168 = arith.addi %mul3A_2, %mul3A_167 : i32
      %dma_wait3A_169 = arith.constant 1 : i32
      %dma_wait3A_170 = arith.constant 1 : i32
      %dma_wait3A_171 = arith.constant 0 : i32
      %dma_wait3A_172 = arith.constant 0 : i32
      %dma_wait3A_173 = tpu.memref_slice %arg6[%dma_wait3A_170, %dma_wait3A_171, %dma_wait3A_172] : memref<4x128x128xf32, #tpu.memory_space<vmem>> -> memref<1x128x128xf32, #tpu.memory_space<vmem>>
      %dma_wait3A_174 = tpu.memref_squeeze %dma_wait3A_173 : memref<1x128x128xf32, #tpu.memory_space<vmem>> -> memref<128x128xf32, #tpu.memory_space<vmem>>
      %dma_wait3A_175 = arith.constant 0 : i32
      %dma_wait3A_176 = tpu.memref_slice %arg5[%dma_wait3A_169, %dma_wait3A_175] : memref<4x128xi32, #tpu.memory_space<vmem>> -> memref<1x128xi32, #tpu.memory_space<vmem>>
      %dma_wait3A_177 = tpu.memref_squeeze %dma_wait3A_176 : memref<1x128xi32, #tpu.memory_space<vmem>> -> memref<128xi32, #tpu.memory_space<vmem>>
      %dma_wait3A_178 = arith.constant 0 : i32
      %dma_wait3A_179 = arith.constant 0 : i32
      %dma_wait3A_180 = tpu.memref_slice %arg3[%dma_wait3A_178, %dma_wait3A_179] : memref<100000x128xf32, #tpu.memory_space<hbm>> -> memref<100000x128xf32, #tpu.memory_space<hbm>>
      tpu.wait_indirect_dma semaphore(%arg8 : memref<!tpu.dma_semaphore, #tpu.memory_space<semaphore_mem>>) src(%dma_wait3A_180 : memref<100000x128xf32, #tpu.memory_space<hbm>>) dst(%dma_wait3A_174 : memref<128x128xf32, #tpu.memory_space<vmem>>)
      %dma_start3A_181 = arith.constant 1 : i32
      %dma_start3A_182 = arith.constant 0 : i32
      %dma_start3A_183 = arith.constant 0 : i32
      %dma_start3A_184 = tpu.memref_slice %arg6[%dma_start3A_181, %dma_start3A_182, %dma_start3A_183] : memref<4x128x128xf32, #tpu.memory_space<vmem>> -> memref<1x128x128xf32, #tpu.memory_space<vmem>>
      %dma_start3A_185 = tpu.memref_squeeze %dma_start3A_184 : memref<1x128x128xf32, #tpu.memory_space<vmem>> -> memref<128x128xf32, #tpu.memory_space<vmem>>
      %dma_start3A_186 = arith.constant 0 : i32
      %dma_start3A_187 = tpu.memref_slice %arg4[%add3A_168, %dma_start3A_186] : memref<819200x128xf32, #tpu.memory_space<hbm>> -> memref<128x128xf32, #tpu.memory_space<hbm>>
      %dma_start3A_188 = arith.constant 0 : i32
      %dma_start3A_189 = tpu.memref_slice %arg4[%add3A_168, %dma_start3A_188] : memref<819200x128xf32, #tpu.memory_space<hbm>> -> memref<128x128xf32, #tpu.memory_space<hbm>>
      %dma_start3A_190 = arith.constant 0 : i32
      %dma_start3A_191 = arith.constant 0 : i32
      %dma_start3A_192 = tpu.memref_slice %arg6[%dma_start3A_181, %dma_start3A_190, %dma_start3A_191] : memref<4x128x128xf32, #tpu.memory_space<vmem>> -> memref<1x128x128xf32, #tpu.memory_space<vmem>>
      %dma_start3A_193 = tpu.memref_squeeze %dma_start3A_192 : memref<1x128x128xf32, #tpu.memory_space<vmem>> -> memref<128x128xf32, #tpu.memory_space<vmem>>
      tpu.enqueue_dma source(%dma_start3A_193 : memref<128x128xf32, #tpu.memory_space<vmem>>) target(%dma_start3A_189 : memref<128x128xf32, #tpu.memory_space<hbm>>) target_semaphore(%arg12 : memref<!tpu.dma_semaphore, #tpu.memory_space<semaphore_mem>>)
      %lt3A_194 = arith.constant 49 : i32
      %lt3A_195 = arith.cmpi slt, %scan3A_127, %lt3A_194 : i32
      %convert_element_type3A_196 = arith.extui %lt3A_195 : i1 to i32
      %cond3A_197 = arith.constant 0 : i32
      %cond3A_198 = arith.cmpi ne, %convert_element_type3A_196, %cond3A_197 : i32
      scf.if %cond3A_198 {
        %add3A_273 = arith.constant 512 : i32
        %add3A_274 = arith.addi %add3A_168, %add3A_273 : i32
        %run_scoped3A_275 = arith.constant 1 : i32
        "tpu.region"() ({
          %run_scoped3A_301 = tpu.sem_alloc : memref<!tpu.dma_semaphore, #tpu.memory_space<semaphore_mem>>
          %dma_start3A_302 = arith.constant 0 : i32
          %dma_start3A_303 = tpu.memref_slice %arg5[%run_scoped3A_275, %dma_start3A_302] : memref<4x128xi32, #tpu.memory_space<vmem>> -> memref<1x128xi32, #tpu.memory_space<vmem>>
          %dma_start3A_304 = tpu.memref_squeeze %dma_start3A_303 : memref<1x128xi32, #tpu.memory_space<vmem>> -> memref<128xi32, #tpu.memory_space<vmem>>
          %dma_start3A_305 = tpu.memref_slice %arg2[%add3A_274] : memref<819200xi32, #tpu.memory_space<hbm>> -> memref<128xi32, #tpu.memory_space<hbm>>
          %dma_start3A_306 = arith.constant 0 : i32
          %dma_start3A_307 = tpu.memref_slice %arg5[%run_scoped3A_275, %dma_start3A_306] : memref<4x128xi32, #tpu.memory_space<vmem>> -> memref<1x128xi32, #tpu.memory_space<vmem>>
          %dma_start3A_308 = tpu.memref_squeeze %dma_start3A_307 : memref<1x128xi32, #tpu.memory_space<vmem>> -> memref<128xi32, #tpu.memory_space<vmem>>
          %dma_start3A_309 = tpu.memref_slice %arg2[%add3A_274] : memref<819200xi32, #tpu.memory_space<hbm>> -> memref<128xi32, #tpu.memory_space<hbm>>
          tpu.enqueue_dma source(%dma_start3A_309 : memref<128xi32, #tpu.memory_space<hbm>>) target(%dma_start3A_308 : memref<128xi32, #tpu.memory_space<vmem>>) target_semaphore(%run_scoped3A_301 : memref<!tpu.dma_semaphore, #tpu.memory_space<semaphore_mem>>)
          %dma_wait3A_310 = arith.constant 0 : i32
          %dma_wait3A_311 = tpu.memref_slice %arg5[%run_scoped3A_275, %dma_wait3A_310] : memref<4x128xi32, #tpu.memory_space<vmem>> -> memref<1x128xi32, #tpu.memory_space<vmem>>
          %dma_wait3A_312 = tpu.memref_squeeze %dma_wait3A_311 : memref<1x128xi32, #tpu.memory_space<vmem>> -> memref<128xi32, #tpu.memory_space<vmem>>
          %dma_wait3A_313 = tpu.memref_slice %arg2[%add3A_274] : memref<819200xi32, #tpu.memory_space<hbm>> -> memref<128xi32, #tpu.memory_space<hbm>>
          %dma_wait3A_314 = arith.constant 0 : i32
          %dma_wait3A_315 = tpu.memref_slice %arg5[%run_scoped3A_275, %dma_wait3A_314] : memref<4x128xi32, #tpu.memory_space<vmem>> -> memref<1x128xi32, #tpu.memory_space<vmem>>
          %dma_wait3A_316 = tpu.memref_squeeze %dma_wait3A_315 : memref<1x128xi32, #tpu.memory_space<vmem>> -> memref<128xi32, #tpu.memory_space<vmem>>
          %dma_wait3A_317 = tpu.memref_slice %arg2[%add3A_274] : memref<819200xi32, #tpu.memory_space<hbm>> -> memref<128xi32, #tpu.memory_space<hbm>>
          tpu.wait_dma2 semaphore(%run_scoped3A_301 : memref<!tpu.dma_semaphore, #tpu.memory_space<semaphore_mem>>) src(%dma_wait3A_317 : memref<128xi32, #tpu.memory_space<hbm>>) dst(%dma_wait3A_316 : memref<128xi32, #tpu.memory_space<vmem>>)
          tpu.yield
        }) : () -> ()
        %dma_wait3A_276 = arith.constant 1 : i32
        %dma_wait3A_277 = arith.constant 0 : i32
        %dma_wait3A_278 = arith.constant 0 : i32
        %dma_wait3A_279 = tpu.memref_slice %arg6[%dma_wait3A_276, %dma_wait3A_277, %dma_wait3A_278] : memref<4x128x128xf32, #tpu.memory_space<vmem>> -> memref<1x128x128xf32, #tpu.memory_space<vmem>>
        %dma_wait3A_280 = tpu.memref_squeeze %dma_wait3A_279 : memref<1x128x128xf32, #tpu.memory_space<vmem>> -> memref<128x128xf32, #tpu.memory_space<vmem>>
        %dma_wait3A_281 = arith.constant 0 : i32
        %dma_wait3A_282 = tpu.memref_slice %arg4[%add3A_168, %dma_wait3A_281] : memref<819200x128xf32, #tpu.memory_space<hbm>> -> memref<128x128xf32, #tpu.memory_space<hbm>>
        %dma_wait3A_283 = arith.constant 0 : i32
        %dma_wait3A_284 = tpu.memref_slice %arg4[%add3A_168, %dma_wait3A_283] : memref<819200x128xf32, #tpu.memory_space<hbm>> -> memref<128x128xf32, #tpu.memory_space<hbm>>
        %dma_wait3A_285 = arith.constant 0 : i32
        %dma_wait3A_286 = arith.constant 0 : i32
        %dma_wait3A_287 = tpu.memref_slice %arg6[%dma_wait3A_276, %dma_wait3A_285, %dma_wait3A_286] : memref<4x128x128xf32, #tpu.memory_space<vmem>> -> memref<1x128x128xf32, #tpu.memory_space<vmem>>
        %dma_wait3A_288 = tpu.memref_squeeze %dma_wait3A_287 : memref<1x128x128xf32, #tpu.memory_space<vmem>> -> memref<128x128xf32, #tpu.memory_space<vmem>>
        tpu.wait_dma2 semaphore(%arg12 : memref<!tpu.dma_semaphore, #tpu.memory_space<semaphore_mem>>) src(%dma_wait3A_288 : memref<128x128xf32, #tpu.memory_space<vmem>>) dst(%dma_wait3A_284 : memref<128x128xf32, #tpu.memory_space<hbm>>)
        %dma_start3A_289 = arith.constant 1 : i32
        %dma_start3A_290 = arith.constant 1 : i32
        %dma_start3A_291 = arith.constant 0 : i32
        %dma_start3A_292 = arith.constant 0 : i32
        %dma_start3A_293 = tpu.memref_slice %arg6[%dma_start3A_290, %dma_start3A_291, %dma_start3A_292] : memref<4x128x128xf32, #tpu.memory_space<vmem>> -> memref<1x128x128xf32, #tpu.memory_space<vmem>>
        %dma_start3A_294 = tpu.memref_squeeze %dma_start3A_293 : memref<1x128x128xf32, #tpu.memory_space<vmem>> -> memref<128x128xf32, #tpu.memory_space<vmem>>
        %dma_start3A_295 = arith.constant 0 : i32
        %dma_start3A_296 = tpu.memref_slice %arg5[%dma_start3A_289, %dma_start3A_295] : memref<4x128xi32, #tpu.memory_space<vmem>> -> memref<1x128xi32, #tpu.memory_space<vmem>>
        %dma_start3A_297 = tpu.memref_squeeze %dma_start3A_296 : memref<1x128xi32, #tpu.memory_space<vmem>> -> memref<128xi32, #tpu.memory_space<vmem>>
        %dma_start3A_298 = arith.constant 0 : i32
        %dma_start3A_299 = arith.constant 0 : i32
        %dma_start3A_300 = tpu.memref_slice %arg3[%dma_start3A_298, %dma_start3A_299] : memref<100000x128xf32, #tpu.memory_space<hbm>> -> memref<100000x128xf32, #tpu.memory_space<hbm>>
        tpu.enqueue_indirect_dma source(%dma_start3A_300 : memref<100000x128xf32, #tpu.memory_space<hbm>>) target(%dma_start3A_294 : memref<128x128xf32, #tpu.memory_space<vmem>>) offsets(%dma_start3A_297 : memref<128xi32, #tpu.memory_space<vmem>>) semaphore(%arg8 : memref<!tpu.dma_semaphore, #tpu.memory_space<semaphore_mem>>)
      } else {
      }
      %mul3A_199 = arith.constant 4 : i32
      %mul3A_200 = arith.muli %scan3A_127, %mul3A_199 : i32
      %add3A_201 = arith.constant 2 : i32
      %add3A_202 = arith.addi %mul3A_200, %add3A_201 : i32
      %mul3A_203 = arith.constant 128 : i32
      %mul3A_204 = arith.muli %add3A_202, %mul3A_203 : i32
      %add3A_205 = arith.addi %mul3A_2, %mul3A_204 : i32
      %dma_wait3A_206 = arith.constant 2 : i32
      %dma_wait3A_207 = arith.constant 2 : i32
      %dma_wait3A_208 = arith.constant 0 : i32
      %dma_wait3A_209 = arith.constant 0 : i32
      %dma_wait3A_210 = tpu.memref_slice %arg6[%dma_wait3A_207, %dma_wait3A_208, %dma_wait3A_209] : memref<4x128x128xf32, #tpu.memory_space<vmem>> -> memref<1x128x128xf32, #tpu.memory_space<vmem>>
      %dma_wait3A_211 = tpu.memref_squeeze %dma_wait3A_210 : memref<1x128x128xf32, #tpu.memory_space<vmem>> -> memref<128x128xf32, #tpu.memory_space<vmem>>
      %dma_wait3A_212 = arith.constant 0 : i32
      %dma_wait3A_213 = tpu.memref_slice %arg5[%dma_wait3A_206, %dma_wait3A_212] : memref<4x128xi32, #tpu.memory_space<vmem>> -> memref<1x128xi32, #tpu.memory_space<vmem>>
      %dma_wait3A_214 = tpu.memref_squeeze %dma_wait3A_213 : memref<1x128xi32, #tpu.memory_space<vmem>> -> memref<128xi32, #tpu.memory_space<vmem>>
      %dma_wait3A_215 = arith.constant 0 : i32
      %dma_wait3A_216 = arith.constant 0 : i32
      %dma_wait3A_217 = tpu.memref_slice %arg3[%dma_wait3A_215, %dma_wait3A_216] : memref<100000x128xf32, #tpu.memory_space<hbm>> -> memref<100000x128xf32, #tpu.memory_space<hbm>>
      tpu.wait_indirect_dma semaphore(%arg9 : memref<!tpu.dma_semaphore, #tpu.memory_space<semaphore_mem>>) src(%dma_wait3A_217 : memref<100000x128xf32, #tpu.memory_space<hbm>>) dst(%dma_wait3A_211 : memref<128x128xf32, #tpu.memory_space<vmem>>)
      %dma_start3A_218 = arith.constant 2 : i32
      %dma_start3A_219 = arith.constant 0 : i32
      %dma_start3A_220 = arith.constant 0 : i32
      %dma_start3A_221 = tpu.memref_slice %arg6[%dma_start3A_218, %dma_start3A_219, %dma_start3A_220] : memref<4x128x128xf32, #tpu.memory_space<vmem>> -> memref<1x128x128xf32, #tpu.memory_space<vmem>>
      %dma_start3A_222 = tpu.memref_squeeze %dma_start3A_221 : memref<1x128x128xf32, #tpu.memory_space<vmem>> -> memref<128x128xf32, #tpu.memory_space<vmem>>
      %dma_start3A_223 = arith.constant 0 : i32
      %dma_start3A_224 = tpu.memref_slice %arg4[%add3A_205, %dma_start3A_223] : memref<819200x128xf32, #tpu.memory_space<hbm>> -> memref<128x128xf32, #tpu.memory_space<hbm>>
      %dma_start3A_225 = arith.constant 0 : i32
      %dma_start3A_226 = tpu.memref_slice %arg4[%add3A_205, %dma_start3A_225] : memref<819200x128xf32, #tpu.memory_space<hbm>> -> memref<128x128xf32, #tpu.memory_space<hbm>>
      %dma_start3A_227 = arith.constant 0 : i32
      %dma_start3A_228 = arith.constant 0 : i32
      %dma_start3A_229 = tpu.memref_slice %arg6[%dma_start3A_218, %dma_start3A_227, %dma_start3A_228] : memref<4x128x128xf32, #tpu.memory_space<vmem>> -> memref<1x128x128xf32, #tpu.memory_space<vmem>>
      %dma_start3A_230 = tpu.memref_squeeze %dma_start3A_229 : memref<1x128x128xf32, #tpu.memory_space<vmem>> -> memref<128x128xf32, #tpu.memory_space<vmem>>
      tpu.enqueue_dma source(%dma_start3A_230 : memref<128x128xf32, #tpu.memory_space<vmem>>) target(%dma_start3A_226 : memref<128x128xf32, #tpu.memory_space<hbm>>) target_semaphore(%arg13 : memref<!tpu.dma_semaphore, #tpu.memory_space<semaphore_mem>>)
      %lt3A_231 = arith.constant 49 : i32
      %lt3A_232 = arith.cmpi slt, %scan3A_127, %lt3A_231 : i32
      %convert_element_type3A_233 = arith.extui %lt3A_232 : i1 to i32
      %cond3A_234 = arith.constant 0 : i32
      %cond3A_235 = arith.cmpi ne, %convert_element_type3A_233, %cond3A_234 : i32
      scf.if %cond3A_235 {
        %add3A_273 = arith.constant 512 : i32
        %add3A_274 = arith.addi %add3A_205, %add3A_273 : i32
        %run_scoped3A_275 = arith.constant 2 : i32
        "tpu.region"() ({
          %run_scoped3A_301 = tpu.sem_alloc : memref<!tpu.dma_semaphore, #tpu.memory_space<semaphore_mem>>
          %dma_start3A_302 = arith.constant 0 : i32
          %dma_start3A_303 = tpu.memref_slice %arg5[%run_scoped3A_275, %dma_start3A_302] : memref<4x128xi32, #tpu.memory_space<vmem>> -> memref<1x128xi32, #tpu.memory_space<vmem>>
          %dma_start3A_304 = tpu.memref_squeeze %dma_start3A_303 : memref<1x128xi32, #tpu.memory_space<vmem>> -> memref<128xi32, #tpu.memory_space<vmem>>
          %dma_start3A_305 = tpu.memref_slice %arg2[%add3A_274] : memref<819200xi32, #tpu.memory_space<hbm>> -> memref<128xi32, #tpu.memory_space<hbm>>
          %dma_start3A_306 = arith.constant 0 : i32
          %dma_start3A_307 = tpu.memref_slice %arg5[%run_scoped3A_275, %dma_start3A_306] : memref<4x128xi32, #tpu.memory_space<vmem>> -> memref<1x128xi32, #tpu.memory_space<vmem>>
          %dma_start3A_308 = tpu.memref_squeeze %dma_start3A_307 : memref<1x128xi32, #tpu.memory_space<vmem>> -> memref<128xi32, #tpu.memory_space<vmem>>
          %dma_start3A_309 = tpu.memref_slice %arg2[%add3A_274] : memref<819200xi32, #tpu.memory_space<hbm>> -> memref<128xi32, #tpu.memory_space<hbm>>
          tpu.enqueue_dma source(%dma_start3A_309 : memref<128xi32, #tpu.memory_space<hbm>>) target(%dma_start3A_308 : memref<128xi32, #tpu.memory_space<vmem>>) target_semaphore(%run_scoped3A_301 : memref<!tpu.dma_semaphore, #tpu.memory_space<semaphore_mem>>)
          %dma_wait3A_310 = arith.constant 0 : i32
          %dma_wait3A_311 = tpu.memref_slice %arg5[%run_scoped3A_275, %dma_wait3A_310] : memref<4x128xi32, #tpu.memory_space<vmem>> -> memref<1x128xi32, #tpu.memory_space<vmem>>
          %dma_wait3A_312 = tpu.memref_squeeze %dma_wait3A_311 : memref<1x128xi32, #tpu.memory_space<vmem>> -> memref<128xi32, #tpu.memory_space<vmem>>
          %dma_wait3A_313 = tpu.memref_slice %arg2[%add3A_274] : memref<819200xi32, #tpu.memory_space<hbm>> -> memref<128xi32, #tpu.memory_space<hbm>>
          %dma_wait3A_314 = arith.constant 0 : i32
          %dma_wait3A_315 = tpu.memref_slice %arg5[%run_scoped3A_275, %dma_wait3A_314] : memref<4x128xi32, #tpu.memory_space<vmem>> -> memref<1x128xi32, #tpu.memory_space<vmem>>
          %dma_wait3A_316 = tpu.memref_squeeze %dma_wait3A_315 : memref<1x128xi32, #tpu.memory_space<vmem>> -> memref<128xi32, #tpu.memory_space<vmem>>
          %dma_wait3A_317 = tpu.memref_slice %arg2[%add3A_274] : memref<819200xi32, #tpu.memory_space<hbm>> -> memref<128xi32, #tpu.memory_space<hbm>>
          tpu.wait_dma2 semaphore(%run_scoped3A_301 : memref<!tpu.dma_semaphore, #tpu.memory_space<semaphore_mem>>) src(%dma_wait3A_317 : memref<128xi32, #tpu.memory_space<hbm>>) dst(%dma_wait3A_316 : memref<128xi32, #tpu.memory_space<vmem>>)
          tpu.yield
        }) : () -> ()
        %dma_wait3A_276 = arith.constant 2 : i32
        %dma_wait3A_277 = arith.constant 0 : i32
        %dma_wait3A_278 = arith.constant 0 : i32
        %dma_wait3A_279 = tpu.memref_slice %arg6[%dma_wait3A_276, %dma_wait3A_277, %dma_wait3A_278] : memref<4x128x128xf32, #tpu.memory_space<vmem>> -> memref<1x128x128xf32, #tpu.memory_space<vmem>>
        %dma_wait3A_280 = tpu.memref_squeeze %dma_wait3A_279 : memref<1x128x128xf32, #tpu.memory_space<vmem>> -> memref<128x128xf32, #tpu.memory_space<vmem>>
        %dma_wait3A_281 = arith.constant 0 : i32
        %dma_wait3A_282 = tpu.memref_slice %arg4[%add3A_205, %dma_wait3A_281] : memref<819200x128xf32, #tpu.memory_space<hbm>> -> memref<128x128xf32, #tpu.memory_space<hbm>>
        %dma_wait3A_283 = arith.constant 0 : i32
        %dma_wait3A_284 = tpu.memref_slice %arg4[%add3A_205, %dma_wait3A_283] : memref<819200x128xf32, #tpu.memory_space<hbm>> -> memref<128x128xf32, #tpu.memory_space<hbm>>
        %dma_wait3A_285 = arith.constant 0 : i32
        %dma_wait3A_286 = arith.constant 0 : i32
        %dma_wait3A_287 = tpu.memref_slice %arg6[%dma_wait3A_276, %dma_wait3A_285, %dma_wait3A_286] : memref<4x128x128xf32, #tpu.memory_space<vmem>> -> memref<1x128x128xf32, #tpu.memory_space<vmem>>
        %dma_wait3A_288 = tpu.memref_squeeze %dma_wait3A_287 : memref<1x128x128xf32, #tpu.memory_space<vmem>> -> memref<128x128xf32, #tpu.memory_space<vmem>>
        tpu.wait_dma2 semaphore(%arg13 : memref<!tpu.dma_semaphore, #tpu.memory_space<semaphore_mem>>) src(%dma_wait3A_288 : memref<128x128xf32, #tpu.memory_space<vmem>>) dst(%dma_wait3A_284 : memref<128x128xf32, #tpu.memory_space<hbm>>)
        %dma_start3A_289 = arith.constant 2 : i32
        %dma_start3A_290 = arith.constant 2 : i32
        %dma_start3A_291 = arith.constant 0 : i32
        %dma_start3A_292 = arith.constant 0 : i32
        %dma_start3A_293 = tpu.memref_slice %arg6[%dma_start3A_290, %dma_start3A_291, %dma_start3A_292] : memref<4x128x128xf32, #tpu.memory_space<vmem>> -> memref<1x128x128xf32, #tpu.memory_space<vmem>>
        %dma_start3A_294 = tpu.memref_squeeze %dma_start3A_293 : memref<1x128x128xf32, #tpu.memory_space<vmem>> -> memref<128x128xf32, #tpu.memory_space<vmem>>
        %dma_start3A_295 = arith.constant 0 : i32
        %dma_start3A_296 = tpu.memref_slice %arg5[%dma_start3A_289, %dma_start3A_295] : memref<4x128xi32, #tpu.memory_space<vmem>> -> memref<1x128xi32, #tpu.memory_space<vmem>>
        %dma_start3A_297 = tpu.memref_squeeze %dma_start3A_296 : memref<1x128xi32, #tpu.memory_space<vmem>> -> memref<128xi32, #tpu.memory_space<vmem>>
        %dma_start3A_298 = arith.constant 0 : i32
        %dma_start3A_299 = arith.constant 0 : i32
        %dma_start3A_300 = tpu.memref_slice %arg3[%dma_start3A_298, %dma_start3A_299] : memref<100000x128xf32, #tpu.memory_space<hbm>> -> memref<100000x128xf32, #tpu.memory_space<hbm>>
        tpu.enqueue_indirect_dma source(%dma_start3A_300 : memref<100000x128xf32, #tpu.memory_space<hbm>>) target(%dma_start3A_294 : memref<128x128xf32, #tpu.memory_space<vmem>>) offsets(%dma_start3A_297 : memref<128xi32, #tpu.memory_space<vmem>>) semaphore(%arg9 : memref<!tpu.dma_semaphore, #tpu.memory_space<semaphore_mem>>)
      } else {
      }
      %mul3A_236 = arith.constant 4 : i32
      %mul3A_237 = arith.muli %scan3A_127, %mul3A_236 : i32
      %add3A_238 = arith.constant 3 : i32
      %add3A_239 = arith.addi %mul3A_237, %add3A_238 : i32
      %mul3A_240 = arith.constant 128 : i32
      %mul3A_241 = arith.muli %add3A_239, %mul3A_240 : i32
      %add3A_242 = arith.addi %mul3A_2, %mul3A_241 : i32
      %dma_wait3A_243 = arith.constant 3 : i32
      %dma_wait3A_244 = arith.constant 3 : i32
      %dma_wait3A_245 = arith.constant 0 : i32
      %dma_wait3A_246 = arith.constant 0 : i32
      %dma_wait3A_247 = tpu.memref_slice %arg6[%dma_wait3A_244, %dma_wait3A_245, %dma_wait3A_246] : memref<4x128x128xf32, #tpu.memory_space<vmem>> -> memref<1x128x128xf32, #tpu.memory_space<vmem>>
      %dma_wait3A_248 = tpu.memref_squeeze %dma_wait3A_247 : memref<1x128x128xf32, #tpu.memory_space<vmem>> -> memref<128x128xf32, #tpu.memory_space<vmem>>
      %dma_wait3A_249 = arith.constant 0 : i32
      %dma_wait3A_250 = tpu.memref_slice %arg5[%dma_wait3A_243, %dma_wait3A_249] : memref<4x128xi32, #tpu.memory_space<vmem>> -> memref<1x128xi32, #tpu.memory_space<vmem>>
      %dma_wait3A_251 = tpu.memref_squeeze %dma_wait3A_250 : memref<1x128xi32, #tpu.memory_space<vmem>> -> memref<128xi32, #tpu.memory_space<vmem>>
      %dma_wait3A_252 = arith.constant 0 : i32
      %dma_wait3A_253 = arith.constant 0 : i32
      %dma_wait3A_254 = tpu.memref_slice %arg3[%dma_wait3A_252, %dma_wait3A_253] : memref<100000x128xf32, #tpu.memory_space<hbm>> -> memref<100000x128xf32, #tpu.memory_space<hbm>>
      tpu.wait_indirect_dma semaphore(%arg10 : memref<!tpu.dma_semaphore, #tpu.memory_space<semaphore_mem>>) src(%dma_wait3A_254 : memref<100000x128xf32, #tpu.memory_space<hbm>>) dst(%dma_wait3A_248 : memref<128x128xf32, #tpu.memory_space<vmem>>)
      %dma_start3A_255 = arith.constant 3 : i32
      %dma_start3A_256 = arith.constant 0 : i32
      %dma_start3A_257 = arith.constant 0 : i32
      %dma_start3A_258 = tpu.memref_slice %arg6[%dma_start3A_255, %dma_start3A_256, %dma_start3A_257] : memref<4x128x128xf32, #tpu.memory_space<vmem>> -> memref<1x128x128xf32, #tpu.memory_space<vmem>>
      %dma_start3A_259 = tpu.memref_squeeze %dma_start3A_258 : memref<1x128x128xf32, #tpu.memory_space<vmem>> -> memref<128x128xf32, #tpu.memory_space<vmem>>
      %dma_start3A_260 = arith.constant 0 : i32
      %dma_start3A_261 = tpu.memref_slice %arg4[%add3A_242, %dma_start3A_260] : memref<819200x128xf32, #tpu.memory_space<hbm>> -> memref<128x128xf32, #tpu.memory_space<hbm>>
      %dma_start3A_262 = arith.constant 0 : i32
      %dma_start3A_263 = tpu.memref_slice %arg4[%add3A_242, %dma_start3A_262] : memref<819200x128xf32, #tpu.memory_space<hbm>> -> memref<128x128xf32, #tpu.memory_space<hbm>>
      %dma_start3A_264 = arith.constant 0 : i32
      %dma_start3A_265 = arith.constant 0 : i32
      %dma_start3A_266 = tpu.memref_slice %arg6[%dma_start3A_255, %dma_start3A_264, %dma_start3A_265] : memref<4x128x128xf32, #tpu.memory_space<vmem>> -> memref<1x128x128xf32, #tpu.memory_space<vmem>>
      %dma_start3A_267 = tpu.memref_squeeze %dma_start3A_266 : memref<1x128x128xf32, #tpu.memory_space<vmem>> -> memref<128x128xf32, #tpu.memory_space<vmem>>
      tpu.enqueue_dma source(%dma_start3A_267 : memref<128x128xf32, #tpu.memory_space<vmem>>) target(%dma_start3A_263 : memref<128x128xf32, #tpu.memory_space<hbm>>) target_semaphore(%arg14 : memref<!tpu.dma_semaphore, #tpu.memory_space<semaphore_mem>>)
      %lt3A_268 = arith.constant 49 : i32
      %lt3A_269 = arith.cmpi slt, %scan3A_127, %lt3A_268 : i32
      %convert_element_type3A_270 = arith.extui %lt3A_269 : i1 to i32
      %cond3A_271 = arith.constant 0 : i32
      %cond3A_272 = arith.cmpi ne, %convert_element_type3A_270, %cond3A_271 : i32
      scf.if %cond3A_272 {
        %add3A_273 = arith.constant 512 : i32
        %add3A_274 = arith.addi %add3A_242, %add3A_273 : i32
        %run_scoped3A_275 = arith.constant 3 : i32
        "tpu.region"() ({
          %run_scoped3A_301 = tpu.sem_alloc : memref<!tpu.dma_semaphore, #tpu.memory_space<semaphore_mem>>
          %dma_start3A_302 = arith.constant 0 : i32
          %dma_start3A_303 = tpu.memref_slice %arg5[%run_scoped3A_275, %dma_start3A_302] : memref<4x128xi32, #tpu.memory_space<vmem>> -> memref<1x128xi32, #tpu.memory_space<vmem>>
          %dma_start3A_304 = tpu.memref_squeeze %dma_start3A_303 : memref<1x128xi32, #tpu.memory_space<vmem>> -> memref<128xi32, #tpu.memory_space<vmem>>
          %dma_start3A_305 = tpu.memref_slice %arg2[%add3A_274] : memref<819200xi32, #tpu.memory_space<hbm>> -> memref<128xi32, #tpu.memory_space<hbm>>
          %dma_start3A_306 = arith.constant 0 : i32
          %dma_start3A_307 = tpu.memref_slice %arg5[%run_scoped3A_275, %dma_start3A_306] : memref<4x128xi32, #tpu.memory_space<vmem>> -> memref<1x128xi32, #tpu.memory_space<vmem>>
          %dma_start3A_308 = tpu.memref_squeeze %dma_start3A_307 : memref<1x128xi32, #tpu.memory_space<vmem>> -> memref<128xi32, #tpu.memory_space<vmem>>
          %dma_start3A_309 = tpu.memref_slice %arg2[%add3A_274] : memref<819200xi32, #tpu.memory_space<hbm>> -> memref<128xi32, #tpu.memory_space<hbm>>
          tpu.enqueue_dma source(%dma_start3A_309 : memref<128xi32, #tpu.memory_space<hbm>>) target(%dma_start3A_308 : memref<128xi32, #tpu.memory_space<vmem>>) target_semaphore(%run_scoped3A_301 : memref<!tpu.dma_semaphore, #tpu.memory_space<semaphore_mem>>)
          %dma_wait3A_310 = arith.constant 0 : i32
          %dma_wait3A_311 = tpu.memref_slice %arg5[%run_scoped3A_275, %dma_wait3A_310] : memref<4x128xi32, #tpu.memory_space<vmem>> -> memref<1x128xi32, #tpu.memory_space<vmem>>
          %dma_wait3A_312 = tpu.memref_squeeze %dma_wait3A_311 : memref<1x128xi32, #tpu.memory_space<vmem>> -> memref<128xi32, #tpu.memory_space<vmem>>
          %dma_wait3A_313 = tpu.memref_slice %arg2[%add3A_274] : memref<819200xi32, #tpu.memory_space<hbm>> -> memref<128xi32, #tpu.memory_space<hbm>>
          %dma_wait3A_314 = arith.constant 0 : i32
          %dma_wait3A_315 = tpu.memref_slice %arg5[%run_scoped3A_275, %dma_wait3A_314] : memref<4x128xi32, #tpu.memory_space<vmem>> -> memref<1x128xi32, #tpu.memory_space<vmem>>
          %dma_wait3A_316 = tpu.memref_squeeze %dma_wait3A_315 : memref<1x128xi32, #tpu.memory_space<vmem>> -> memref<128xi32, #tpu.memory_space<vmem>>
          %dma_wait3A_317 = tpu.memref_slice %arg2[%add3A_274] : memref<819200xi32, #tpu.memory_space<hbm>> -> memref<128xi32, #tpu.memory_space<hbm>>
          tpu.wait_dma2 semaphore(%run_scoped3A_301 : memref<!tpu.dma_semaphore, #tpu.memory_space<semaphore_mem>>) src(%dma_wait3A_317 : memref<128xi32, #tpu.memory_space<hbm>>) dst(%dma_wait3A_316 : memref<128xi32, #tpu.memory_space<vmem>>)
          tpu.yield
        }) : () -> ()
        %dma_wait3A_276 = arith.constant 3 : i32
        %dma_wait3A_277 = arith.constant 0 : i32
        %dma_wait3A_278 = arith.constant 0 : i32
        %dma_wait3A_279 = tpu.memref_slice %arg6[%dma_wait3A_276, %dma_wait3A_277, %dma_wait3A_278] : memref<4x128x128xf32, #tpu.memory_space<vmem>> -> memref<1x128x128xf32, #tpu.memory_space<vmem>>
        %dma_wait3A_280 = tpu.memref_squeeze %dma_wait3A_279 : memref<1x128x128xf32, #tpu.memory_space<vmem>> -> memref<128x128xf32, #tpu.memory_space<vmem>>
        %dma_wait3A_281 = arith.constant 0 : i32
        %dma_wait3A_282 = tpu.memref_slice %arg4[%add3A_242, %dma_wait3A_281] : memref<819200x128xf32, #tpu.memory_space<hbm>> -> memref<128x128xf32, #tpu.memory_space<hbm>>
        %dma_wait3A_283 = arith.constant 0 : i32
        %dma_wait3A_284 = tpu.memref_slice %arg4[%add3A_242, %dma_wait3A_283] : memref<819200x128xf32, #tpu.memory_space<hbm>> -> memref<128x128xf32, #tpu.memory_space<hbm>>
        %dma_wait3A_285 = arith.constant 0 : i32
        %dma_wait3A_286 = arith.constant 0 : i32
        %dma_wait3A_287 = tpu.memref_slice %arg6[%dma_wait3A_276, %dma_wait3A_285, %dma_wait3A_286] : memref<4x128x128xf32, #tpu.memory_space<vmem>> -> memref<1x128x128xf32, #tpu.memory_space<vmem>>
        %dma_wait3A_288 = tpu.memref_squeeze %dma_wait3A_287 : memref<1x128x128xf32, #tpu.memory_space<vmem>> -> memref<128x128xf32, #tpu.memory_space<vmem>>
        tpu.wait_dma2 semaphore(%arg14 : memref<!tpu.dma_semaphore, #tpu.memory_space<semaphore_mem>>) src(%dma_wait3A_288 : memref<128x128xf32, #tpu.memory_space<vmem>>) dst(%dma_wait3A_284 : memref<128x128xf32, #tpu.memory_space<hbm>>)
        %dma_start3A_289 = arith.constant 3 : i32
        %dma_start3A_290 = arith.constant 3 : i32
        %dma_start3A_291 = arith.constant 0 : i32
        %dma_start3A_292 = arith.constant 0 : i32
        %dma_start3A_293 = tpu.memref_slice %arg6[%dma_start3A_290, %dma_start3A_291, %dma_start3A_292] : memref<4x128x128xf32, #tpu.memory_space<vmem>> -> memref<1x128x128xf32, #tpu.memory_space<vmem>>
        %dma_start3A_294 = tpu.memref_squeeze %dma_start3A_293 : memref<1x128x128xf32, #tpu.memory_space<vmem>> -> memref<128x128xf32, #tpu.memory_space<vmem>>
        %dma_start3A_295 = arith.constant 0 : i32
        %dma_start3A_296 = tpu.memref_slice %arg5[%dma_start3A_289, %dma_start3A_295] : memref<4x128xi32, #tpu.memory_space<vmem>> -> memref<1x128xi32, #tpu.memory_space<vmem>>
        %dma_start3A_297 = tpu.memref_squeeze %dma_start3A_296 : memref<1x128xi32, #tpu.memory_space<vmem>> -> memref<128xi32, #tpu.memory_space<vmem>>
        %dma_start3A_298 = arith.constant 0 : i32
        %dma_start3A_299 = arith.constant 0 : i32
        %dma_start3A_300 = tpu.memref_slice %arg3[%dma_start3A_298, %dma_start3A_299] : memref<100000x128xf32, #tpu.memory_space<hbm>> -> memref<100000x128xf32, #tpu.memory_space<hbm>>
        tpu.enqueue_indirect_dma source(%dma_start3A_300 : memref<100000x128xf32, #tpu.memory_space<hbm>>) target(%dma_start3A_294 : memref<128x128xf32, #tpu.memory_space<vmem>>) offsets(%dma_start3A_297 : memref<128xi32, #tpu.memory_space<vmem>>) semaphore(%arg10 : memref<!tpu.dma_semaphore, #tpu.memory_space<semaphore_mem>>)
      } else {
      }
    }
    %scan3A_65 = arith.constant 50 : i32
    %add3A_66 = arith.constant 25088 : i32
    %add3A_67 = arith.addi %mul3A_2, %add3A_66 : i32
    %add3A_68 = arith.constant 0 : i32
    %add3A_69 = arith.addi %add3A_67, %add3A_68 : i32
    %dma_wait3A = arith.constant 0 : i32
    %dma_wait3A_70 = arith.constant 0 : i32
    %dma_wait3A_71 = arith.constant 0 : i32
    %dma_wait3A_72 = tpu.memref_slice %arg6[%dma_wait3A, %dma_wait3A_70, %dma_wait3A_71] : memref<4x128x128xf32, #tpu.memory_space<vmem>> -> memref<1x128x128xf32, #tpu.memory_space<vmem>>
    %dma_wait3A_73 = tpu.memref_squeeze %dma_wait3A_72 : memref<1x128x128xf32, #tpu.memory_space<vmem>> -> memref<128x128xf32, #tpu.memory_space<vmem>>
    %dma_wait3A_74 = arith.constant 0 : i32
    %dma_wait3A_75 = tpu.memref_slice %arg4[%add3A_69, %dma_wait3A_74] : memref<819200x128xf32, #tpu.memory_space<hbm>> -> memref<128x128xf32, #tpu.memory_space<hbm>>
    %dma_wait3A_76 = arith.constant 0 : i32
    %dma_wait3A_77 = tpu.memref_slice %arg4[%add3A_69, %dma_wait3A_76] : memref<819200x128xf32, #tpu.memory_space<hbm>> -> memref<128x128xf32, #tpu.memory_space<hbm>>
    %dma_wait3A_78 = arith.constant 0 : i32
    %dma_wait3A_79 = arith.constant 0 : i32
    %dma_wait3A_80 = tpu.memref_slice %arg6[%dma_wait3A, %dma_wait3A_78, %dma_wait3A_79] : memref<4x128x128xf32, #tpu.memory_space<vmem>> -> memref<1x128x128xf32, #tpu.memory_space<vmem>>
    %dma_wait3A_81 = tpu.memref_squeeze %dma_wait3A_80 : memref<1x128x128xf32, #tpu.memory_space<vmem>> -> memref<128x128xf32, #tpu.memory_space<vmem>>
    tpu.wait_dma2 semaphore(%arg11 : memref<!tpu.dma_semaphore, #tpu.memory_space<semaphore_mem>>) src(%dma_wait3A_81 : memref<128x128xf32, #tpu.memory_space<vmem>>) dst(%dma_wait3A_77 : memref<128x128xf32, #tpu.memory_space<hbm>>)
    %add3A_82 = arith.constant 128 : i32
    %add3A_83 = arith.addi %add3A_67, %add3A_82 : i32
    %dma_wait3A_84 = arith.constant 1 : i32
    %dma_wait3A_85 = arith.constant 0 : i32
    %dma_wait3A_86 = arith.constant 0 : i32
    %dma_wait3A_87 = tpu.memref_slice %arg6[%dma_wait3A_84, %dma_wait3A_85, %dma_wait3A_86] : memref<4x128x128xf32, #tpu.memory_space<vmem>> -> memref<1x128x128xf32, #tpu.memory_space<vmem>>
    %dma_wait3A_88 = tpu.memref_squeeze %dma_wait3A_87 : memref<1x128x128xf32, #tpu.memory_space<vmem>> -> memref<128x128xf32, #tpu.memory_space<vmem>>
    %dma_wait3A_89 = arith.constant 0 : i32
    %dma_wait3A_90 = tpu.memref_slice %arg4[%add3A_83, %dma_wait3A_89] : memref<819200x128xf32, #tpu.memory_space<hbm>> -> memref<128x128xf32, #tpu.memory_space<hbm>>
    %dma_wait3A_91 = arith.constant 0 : i32
    %dma_wait3A_92 = tpu.memref_slice %arg4[%add3A_83, %dma_wait3A_91] : memref<819200x128xf32, #tpu.memory_space<hbm>> -> memref<128x128xf32, #tpu.memory_space<hbm>>
    %dma_wait3A_93 = arith.constant 0 : i32
    %dma_wait3A_94 = arith.constant 0 : i32
    %dma_wait3A_95 = tpu.memref_slice %arg6[%dma_wait3A_84, %dma_wait3A_93, %dma_wait3A_94] : memref<4x128x128xf32, #tpu.memory_space<vmem>> -> memref<1x128x128xf32, #tpu.memory_space<vmem>>
    %dma_wait3A_96 = tpu.memref_squeeze %dma_wait3A_95 : memref<1x128x128xf32, #tpu.memory_space<vmem>> -> memref<128x128xf32, #tpu.memory_space<vmem>>
    tpu.wait_dma2 semaphore(%arg12 : memref<!tpu.dma_semaphore, #tpu.memory_space<semaphore_mem>>) src(%dma_wait3A_96 : memref<128x128xf32, #tpu.memory_space<vmem>>) dst(%dma_wait3A_92 : memref<128x128xf32, #tpu.memory_space<hbm>>)
    %add3A_97 = arith.constant 256 : i32
    %add3A_98 = arith.addi %add3A_67, %add3A_97 : i32
    %dma_wait3A_99 = arith.constant 2 : i32
    %dma_wait3A_100 = arith.constant 0 : i32
    %dma_wait3A_101 = arith.constant 0 : i32
    %dma_wait3A_102 = tpu.memref_slice %arg6[%dma_wait3A_99, %dma_wait3A_100, %dma_wait3A_101] : memref<4x128x128xf32, #tpu.memory_space<vmem>> -> memref<1x128x128xf32, #tpu.memory_space<vmem>>
    %dma_wait3A_103 = tpu.memref_squeeze %dma_wait3A_102 : memref<1x128x128xf32, #tpu.memory_space<vmem>> -> memref<128x128xf32, #tpu.memory_space<vmem>>
    %dma_wait3A_104 = arith.constant 0 : i32
    %dma_wait3A_105 = tpu.memref_slice %arg4[%add3A_98, %dma_wait3A_104] : memref<819200x128xf32, #tpu.memory_space<hbm>> -> memref<128x128xf32, #tpu.memory_space<hbm>>
    %dma_wait3A_106 = arith.constant 0 : i32
    %dma_wait3A_107 = tpu.memref_slice %arg4[%add3A_98, %dma_wait3A_106] : memref<819200x128xf32, #tpu.memory_space<hbm>> -> memref<128x128xf32, #tpu.memory_space<hbm>>
    %dma_wait3A_108 = arith.constant 0 : i32
    %dma_wait3A_109 = arith.constant 0 : i32
    %dma_wait3A_110 = tpu.memref_slice %arg6[%dma_wait3A_99, %dma_wait3A_108, %dma_wait3A_109] : memref<4x128x128xf32, #tpu.memory_space<vmem>> -> memref<1x128x128xf32, #tpu.memory_space<vmem>>
    %dma_wait3A_111 = tpu.memref_squeeze %dma_wait3A_110 : memref<1x128x128xf32, #tpu.memory_space<vmem>> -> memref<128x128xf32, #tpu.memory_space<vmem>>
    tpu.wait_dma2 semaphore(%arg13 : memref<!tpu.dma_semaphore, #tpu.memory_space<semaphore_mem>>) src(%dma_wait3A_111 : memref<128x128xf32, #tpu.memory_space<vmem>>) dst(%dma_wait3A_107 : memref<128x128xf32, #tpu.memory_space<hbm>>)
    %add3A_112 = arith.constant 384 : i32
    %add3A_113 = arith.addi %add3A_67, %add3A_112 : i32
    %dma_wait3A_114 = arith.constant 3 : i32
    %dma_wait3A_115 = arith.constant 0 : i32
    %dma_wait3A_116 = arith.constant 0 : i32
    %dma_wait3A_117 = tpu.memref_slice %arg6[%dma_wait3A_114, %dma_wait3A_115, %dma_wait3A_116] : memref<4x128x128xf32, #tpu.memory_space<vmem>> -> memref<1x128x128xf32, #tpu.memory_space<vmem>>
    %dma_wait3A_118 = tpu.memref_squeeze %dma_wait3A_117 : memref<1x128x128xf32, #tpu.memory_space<vmem>> -> memref<128x128xf32, #tpu.memory_space<vmem>>
    %dma_wait3A_119 = arith.constant 0 : i32
    %dma_wait3A_120 = tpu.memref_slice %arg4[%add3A_113, %dma_wait3A_119] : memref<819200x128xf32, #tpu.memory_space<hbm>> -> memref<128x128xf32, #tpu.memory_space<hbm>>
    %dma_wait3A_121 = arith.constant 0 : i32
    %dma_wait3A_122 = tpu.memref_slice %arg4[%add3A_113, %dma_wait3A_121] : memref<819200x128xf32, #tpu.memory_space<hbm>> -> memref<128x128xf32, #tpu.memory_space<hbm>>
    %dma_wait3A_123 = arith.constant 0 : i32
    %dma_wait3A_124 = arith.constant 0 : i32
    %dma_wait3A_125 = tpu.memref_slice %arg6[%dma_wait3A_114, %dma_wait3A_123, %dma_wait3A_124] : memref<4x128x128xf32, #tpu.memory_space<vmem>> -> memref<1x128x128xf32, #tpu.memory_space<vmem>>
    %dma_wait3A_126 = tpu.memref_squeeze %dma_wait3A_125 : memref<1x128x128xf32, #tpu.memory_space<vmem>> -> memref<128x128xf32, #tpu.memory_space<vmem>>
    tpu.wait_dma2 semaphore(%arg14 : memref<!tpu.dma_semaphore, #tpu.memory_space<semaphore_mem>>) src(%dma_wait3A_126 : memref<128x128xf32, #tpu.memory_space<vmem>>) dst(%dma_wait3A_122 : memref<128x128xf32, #tpu.memory_space<hbm>>)
    return
  }
}

</mosaic_0001>

<sc_bundles>
// kernel: kernel.3.cloned.1.call-start
scs
__scs_entry_jumppad:
0x0: {  	(pc) =	sbr.rel $0x88, $3  }
0x1: {  	(tag) =	ssettag $0x0;
	lr =	simm.s32 $0x1  }
0x2: {  	[smem:$0x3F9F] =	sst lr;
	_ =	strace $0xD0000000  }
0x3: {  	_ = 	snop  }
0x4: {  	_ = 	snop  }
0x5: {  	_ = 	snop  }
0x6: {  	_ = 	snop  }
0x7: {  	_ = 	snop  }
__scs_overlays_trampoline_lowered:
0x8: {  	[smem:$0x3FAE] =	sst s0  }
0x9: {  	[smem:$0x3FAF] =	sst s1  }
0xa: {  	[smem:$0x3FB0] =	sst s2  }
0xb: {  	[smem:$0x3FB1] =	sst s3  }
0xc: {  	[smem:$0x3FB2] =	sst s4  }
0xd: {  	[smem:$0x3FB3] =	sst s5  }
0xe: {  	[smem:$0x3FB4] =	sst s6  }
0xf: {  	[smem:$0x3FB5] =	sst s7  }
0x10: {  	[smem:$0x3FB6] =	sst s8  }
0x11: {  	[smem:$0x3FB7] =	sst s9;
	s0 =	simm.s32 @!p0 $0x0  }
0x12: {  	s1 =	sld [smem:$0x3F9D];
	s0 =	simm.s32 @p0 $0x1  }
0x13: {  	[smem:$0x3FB8] =	sst s0;
	s0 =	simm.s32 @!p1 $0x0  }
0x14: {  	s2 =	sld [smem:$0x3F9C];
	s0 =	simm.s32 @p1 $0x1  }
0x15: {  	[smem:$0x3FB9] =	sst s0;
	s0 =	simm.s32 @!p2 $0x0  }
0x16: {  	s3 =	sld [smem:$0x3FDB];
	s0 =	simm.s32 @p2 $0x1  }
0x17: {  	s4 =	simm.s32 $0x1BF5;
	[smem:$0x3FBB] =	sst s0  }
0x18: {  	s0 =	sld [smem:$0x3F9E];
	_ =	swait.ge [sflag:s4], $0x0  }
0x19: {  	s7 =	sld [smem:$0x3F9F]  }
0x1a: {  	s8 =	sadd.s32 $0xFFFFE003, lr  }
0x1b: {  	s9 =	sadd.s32 $0xFFFFFEF7, lr;
	s5 =	simm.s32 $0xFFFFFFFF;
	p2 =	slt.u32 s8, $0xFFFFF086  }
0x1c: {  	p1 =	slt.u32 s9, $0xF7A;
	s5 =	simm.s32 @!p2 $0x0  }
0x1d: {  	s5 =	simm.s32 @p1 $0x1;
	p0 =	seq.s32 s7, s2  }
0x1e: {  	s7 =	smul.u32 @!p0 $0xF7A, s2;
	p2 =	seq.s32 @!p0 s5, $0x0  }
0x1f: {  	s9 =	smul.u32 $0xF7A, s1;
	s8 =	simm.s32 @!p0 $0x1BF5;
	p2 =	por !p2, p0  }
0x20: {  	[sflag:s8] =	ssyncset.s32 @!p0 $0xFFFFF086;
	s6 =	sadd.s32 @!p0 s3, s7;
	s7 =	simm.s32 @!p0 $0x108  }
0x21: {  	s3 =	sadd.s32 s3, s9;
	s6 =	sadd.s32 @!p0 $0x88, s6;
	s7 =	simm.s32 @p2 $0x1082  }
0x22: {  	[simem:s7], [sflag:s8] =	dma.local @!p0 [hbm:s6], $0xF7A  }
0x23: {  	s9 =	sor.u32 $0xD0000000, s2;
	s6 =	simm.s32 $0x108;
	_ =	swait.ge @!p0 [sflag:s8], $0x0  }
0x24: {  	s3 =	sadd.s32 $0x88, s3;
	s6 =	simm.s32 @!p1 $0x1082;
	[sflag:s4] =	ssyncset.s32 $0xFFFFF086  }
0x25: {  	[simem:s6], [sflag:s4] =	dma.local [hbm:s3], $0xF7A  }
0x26: {  	[smem:$0x3F9F] =	sst s1;
	(tag) =	ssettag s2;
	_ =	strace s9  }
0x27: {  	s1 =	sld [smem:$0x3FAF]  }
0x28: {  	s2 =	sld [smem:$0x3FB0]  }
0x29: {  	s4 =	sld [smem:$0x3FB2]  }
0x2a: {  	p0 =	seq.s32 s5, $0x0;
	s5 =	sld [smem:$0x3FB3]  }
0x2b: {  	s6 =	sld [smem:$0x3FB4]  }
0x2c: {  	s7 =	sld [smem:$0x3FB5]  }
0x2d: {  	s3 =	simm.s32 $0x108;
	s8 =	sld [smem:$0x3FB6]  }
0x2e: {  	s3 =	simm.s32 @!p0 $0x1082;
	s9 =	sld [smem:$0x3FB7]  }
0x2f: {  	lr =	sadd.s32 s0, s3;
	s0 =	sld [smem:$0x3FAE]  }
0x30: {  	s3 =	sld [smem:$0x3FB1]  }
0x31: {  	[smem:$0x3FBA] =	sst s10  }
0x32: {  	s10 =	sld [smem:$0x3FB8];
	_ =	sdelay $0x3  }
0x33: {  	p0 =	seq.s32 s10, $0x1;
	s10 =	sld [smem:$0x3FBA];
	_ =	sdelay $0x3  }
0x34: {  	[smem:$0x3FBA] =	sst s10  }
0x35: {  	s10 =	sld [smem:$0x3FB9];
	_ =	sdelay $0x3  }
0x36: {  	p1 =	seq.s32 s10, $0x1;
	s10 =	sld [smem:$0x3FBA];
	_ =	sdelay $0x3  }
0x37: {  	[smem:$0x3FBA] =	sst s10  }
0x38: {  	s10 =	sld [smem:$0x3FBB]  }
0x39: {  	_ = 	snop;
	(pc) =	sbr.ind lr, $3  }
0x3a: {  	_ = 	snop  }
0x3b: {  	_ = 	snop  }
0x3c: {  	p2 =	seq.s32 s10, $0x1;
	s10 =	sld [smem:$0x3FBA]  }
0x3d: {  	_ =	shalt  }
0x3e: {  	_ =	shalt  }
0x3f: {  	_ =	shalt  }
0x40: {  	_ =	shalt  }
0x41: {  	_ =	shalt  }
0x42: {  	_ =	shalt  }
0x43: {  	_ =	shalt  }
0x44: {  	_ =	shalt  }
0x45: {  	_ =	shalt  }
0x46: {  	_ =	shalt  }
0x47: {  	_ =	shalt  }
0x48: {  	_ =	shalt  }
0x49: {  	_ =	shalt  }
0x4a: {  	_ =	shalt  }
0x4b: {  	_ =	shalt  }
0x4c: {  	_ =	shalt  }
0x4d: {  	_ =	shalt  }
0x4e: {  	_ =	shalt  }
0x4f: {  	_ =	shalt  }
0x50: {  	_ =	shalt  }
0x51: {  	_ =	shalt  }
0x52: {  	_ =	shalt  }
0x53: {  	_ =	shalt  }
0x54: {  	_ =	shalt  }
0x55: {  	_ =	shalt  }
0x56: {  	_ =	shalt  }
0x57: {  	_ =	shalt  }
0x58: {  	_ =	shalt  }
0x59: {  	_ =	shalt  }
0x5a: {  	_ =	shalt  }
0x5b: {  	_ =	shalt  }
0x5c: {  	_ =	shalt  }
0x5d: {  	_ =	shalt  }
0x5e: {  	_ =	shalt  }
0x5f: {  	_ =	shalt  }
0x60: {  	_ =	shalt  }
0x61: {  	_ =	shalt  }
0x62: {  	_ =	shalt  }
0x63: {  	_ =	shalt  }
0x64: {  	_ =	shalt  }
0x65: {  	_ =	shalt  }
0x66: {  	_ =	shalt  }
0x67: {  	_ =	shalt  }
0x68: {  	_ =	shalt  }
0x69: {  	_ =	shalt  }
0x6a: {  	_ =	shalt  }
0x6b: {  	_ =	shalt  }
0x6c: {  	_ =	shalt  }
0x6d: {  	_ =	shalt  }
0x6e: {  	_ =	shalt  }
0x6f: {  	_ =	shalt  }
0x70: {  	_ =	shalt  }
0x71: {  	_ =	shalt  }
0x72: {  	_ =	shalt  }
0x73: {  	_ =	shalt  }
0x74: {  	_ =	shalt  }
0x75: {  	_ =	shalt  }
0x76: {  	_ =	shalt  }
0x77: {  	_ =	shalt  }
0x78: {  	_ =	shalt  }
0x79: {  	_ =	shalt  }
0x7a: {  	_ =	shalt  }
0x7b: {  	_ =	shalt  }
0x7c: {  	_ =	shalt  }
0x7d: {  	_ =	shalt  }
0x7e: {  	_ =	shalt  }
0x7f: {  	_ =	shalt  }
0x80: {  	_ =	shalt  }
0x81: {  	_ =	shalt  }
0x82: {  	_ =	shalt  }
0x83: {  	_ =	shalt  }
0x84: {  	_ =	shalt  }
0x85: {  	_ =	shalt  }
0x86: {  	_ =	shalt  }
0x87: {  	_ =	shalt  }
.Lfunc_end0:
.L_simem_size_0:
called_computation_lowered:
.L_overlay_start_0:
0x88: {  	s2 =	sld [smem:$0x3FD9]  }
0x89: {  	s3 =	sld [smem:$0x3FFE];
	_ =	sdelay $0x1  }
0x8a: {  	s1 =	srdreg.scid  }
0x8b: {  	s0 =	sand.u32 $0x1, s1  }
0x8c: {  	s17 =	sshll.u32 s0, $0xA;
	s2 =	sadd.s32 s3, s2  }
0x8d: {  	s2 =	sadd.s32 s2, s17  }
0x8e: {  	[smem:$0x3FC6] =	sst s2  }
0x8f: {  	_ = 	snop  }
0x90: {  	s2 =	sld [smem:$0x3FD0];
	(tm) =	ssettm $0x1  }
0x91: {  	s18 =	sld [smem:$0x3FFB];
	_ =	sdelay $0x3  }
0x92: {  	_ =	strace s18  }
0x93: {  	s3 =	sld [smem:$0x3FFC];
	_ =	sdelay $0x3  }
0x94: {  	_ =	strace s3  }
0x95: {  	s3 =	sld [smem:$0x3FFD];
	_ =	sdelay $0x3  }
0x96: {  	_ =	strace s3  }
0x97: {  	_ =	strace $0x8FFFFFFF  }
0x98: {  	s19 =	sld [smem:$0x3FDB];
	_ =	sdelay $0x1  }
0x99: {  	s4 =	simm.s32 $_scs_section_size  }
0x9a: {  	s5 =	simm.s32 $_size__tile_overlayer_lowered;
	s6 =	simm.s32 $_tile_overlayer_lowered  }
0x9b: {  	s22 =	simm.s32 $0x1BFF;
	s21 =	sshll.u32 s6, $0x1;
	s3 =	sadd.s32 s4, s19  }
0x9c: {  	s7 =	simm.s32 $0x0;
	s20 =	sshll.u32 s5, $0x1;
	s5 =	sadd.s32 s21, s3  }
0x9d: {  	[timem:s7], [sflag:s22] =	dma.local [hbm:s5], s20  }
0x9e: {  	_ =	swait.ge [sflag:s22], s20  }
0x9f: {  	s4 =	ssub.s32 $0x0, s20;
	[sflag:s22] =	ssyncset.done $0x0  }
0xa0: {  	[sflag:s22] =	ssyncadd.s32 s4;
	_ =	sdelay $0x1  }
0xa1: {  	s23 =	simm.s32 $0x1B8B  }
0xa2: {  	_ =	swait.ge [sflag:s23], $0x1  }
0xa3: {  	[sflag:s23] =	ssyncset.done $0x0  }
0xa4: {  	s25 =	simm.s32 $0x1B8E;
	s24 =	sld [smem:$0x3FFE];
	[sflag:s23] =	ssyncadd.s32 $0xFFFFFFFF  }
0xa5: {  	s26 =	simm.s32 $execute0_lowered;
	[smem:$0x3FD2] =	sst s25  }
0xa6: {  	s5 =	sshll.u32 s26, $0x1;
	_ =	strace $0x80000046;
	[dreg:$0x1] =	wrdreg $0xFFFFFFFF  }
0xa7: {  	s28 =	simm.s32 $_size_execute0_lowered;
	s3 =	sadd.s32 s3, s5;
	[dreg:$0x0] =	wrdreg $0x0  }
0xa8: {  	s5 =	sshll.u32 s28, $0x1;
	[dreg:$0x2] =	wrdreg s3  }
0xa9: {  	[dreg:$0x3] =	wrdreg s5  }
0xaa: {  	[dreg:$0x4] =	wrdreg $0xC0  }
0xab: {  	_ =	task [dreg:s7], $0x5FFFF  }
0xac: {  	[dreg:$0x1] =	wrdreg $0xFFFFFFFF  }
0xad: {  	[dreg:$0x0] =	wrdreg $0x60  }
0xae: {  	[dreg:$0x2] =	wrdreg s24  }
0xaf: {  	[dreg:$0x3] =	wrdreg s2  }
0xb0: {  	[dreg:$0x4] =	wrdreg $0x9  }
0xb1: {  	_ =	task.clear_ibuf [dreg:s7], $0x5FFFF;
	_ =	strace $0x90000046  }
0xb2: {  	s29 =	simm.s32 $0x9;
	_ =	strace $0x80000048  }
0xb3: {  	_ =	swait.ge [sflag:s29], $0x1  }
0xb4: {  	[sflag:s29] =	ssyncadd.s32 $0xFFFFFFFF  }
0xb5: {  	_ =	strace $0x90000048  }
0xb6: {  	_ =	sfence  }
0xb7: {  	s30 =	sld [smem:$0x0];
	_ =	sdelay $0x2  }
0xb8: {  	s31 =	sshll.u32 s1, $0xD;
	s1 =	sshrl.u32 s1, $0x2  }
0xb9: {  	s3 =	sand.u32 $0x4000, s31;
	s1 =	sadd.s32 s1, s30  }
0xba: {  	s0 =	sor.u32 s3, s0;
	s1 =	sshll.u32 s1, $0x11  }
0xbb: {  	s0 =	sor.u32 s1, s0  }
0xbc: {  	s0 =	sadd.s32 $0x8F2B, s0  }
0xbd: {  	[sflag:s0] =	ssyncadd.remote.s32 $0x1  }
0xbe: {  	_ =	sfence.sel $0xFFFF  }
0xbf: {  	[dreg:$0x0] =	wrdreg $0xFFFFFFFF;
	(pc) =	sbr.abs _section_cstart, $3  }
0xc0: {  	[dreg:$0x1] =	wrdreg $0xFFFFFFFF  }
0xc1: {  	_ =	task.clear_ibuf [dreg:s7], $0x2FFFF;
	_ =	strace $0x9FFFFFFF  }
0xc2: {  	(tm) =	ssettm $0x7FFFFFFF  }
0xc3: {  	_ =	shalt  }
tec
execute0_lowered:
.L_overlay_start_1:
0x0: {  	(tag) =	ssettag $0x1  }
0x1: {  	s0 =	rddreg [dreg:$0x0];
	s1 =	srdreg.scid  }
0x2: {  	s10 =	stileid.u32;
	s5 =	rddreg [dreg:$0x1]  }
0x3: {  	s2 =	simm.s32 $0x0;
	s14 =	simm.s32 $0x9;
	s15 =	simm.s32 $0x80  }
0x4: {  	s16 =	simm.s32 $0x200;
	s28 =	simm.s32 $0x6;
	s29 =	simm.s32 $0x7  }
0x5: {  	s30 =	simm.s32 $0x8;
	s31 =	simm.s32 $0x0;
	s6 =	smul.u32 $0xC800, s10  }
0x6: {  	s1 =	sand.u32 $0x1, s1;
	s3 =	sshll.u32 s10, $0x1;
	s19 =	smul.u32 $0xC8000, s10  }
0x7: {  	[smem:$0x7FF] =	sst s2;
	s7 =	sadd.s32 $0x400, s0;
	s9 =	smul.u32 $0x6400, s1  }
0x8: {  	s3 =	sor.u32 s1, s3;
	s17 =	ssub.s32 $0x2, s1;
	s1 =	smul.u32 $0x64000, s1  }
0x9: {  	_ =	strace $0x80000047;
	s4 =	smul.u32 $0x6400, s3;
	s3 =	sadd.s32 $0x19400, s0  }
0xa: {  	s8 =	sshrl.u32 s17, $0x1;
	s5 =	sadd.s32 s19, s5;
	s19 =	simm.s32 $0x8200  }
0xb: {  	s0 =	ssub.s32 s17, s8;
	s21 =	sadd.s32 s9, s6;
	s9 =	sadd.s32 s1, s5  }
0xc: {  	s17 =	simm.s32 $0x4200;
	s4 =	sshrl.u32 s4, $0x3;
	s6 =	sor.u32 $0x300, s21  }
0xd: {  	s0 =	smax.u32 s0, $0x1;
	s23 =	sor.u32 $0x280, s21;
	s24 =	sor.u32 $0x380, s21  }
0xe: {  	s10 =	sor.u32 $0x200, s21;
	s21 =	simm.s32 $0xC200;
	s4 =	sadd.s32 s7, s4  }
0xf: {  	[dreg:$0x7] =	wrdreg s0;
	s22 =	sshrl.u32 s6, $0x3;
	s1 =	sshrl.u32 s24, $0x3  }
0x10: {  	s26 =	sshrl.u32 s10, $0x3;
	s18 =	sadd.s32 $0x10, s4;
	[dreg:$0x3] =	wrdreg s4  }
0x11: {  	s24 =	simm.s32 $0x3;
	s20 =	sadd.s32 $0x20, s4;
	[dreg:$0x4] =	wrdreg s18  }
0x12: {  	s4 =	sadd.s32 $0x30, s4;
	s0 =	sadd.s32 s22, s7;
	[dreg:$0x5] =	wrdreg s20  }
.Ltmp0:
0x13: {  	s25 =	sadd.s32 s1, s7;
	[dreg:$0x6] =	wrdreg s4;
	(pc) =	sbr.rel .LBB2_1-.Ltmp0, $4  }
0x14: {  	s1 =	sadd.s32 s26, s7;
	s22 =	simm.s32 $0x1;
	[dreg:$0x8] =	wrdreg s0  }
0x15: {  	s26 =	simm.s32 $0x5;
	s0 =	sshrl.u32 s23, $0x3;
	[dreg:$0xa] =	wrdreg s25  }
0x16: {  	s18 =	simm.s32 $0x100;
	s20 =	simm.s32 $0x180;
	s0 =	sadd.s32 s0, s7  }
0x17: {  	s23 =	simm.s32 $0x2;
	s25 =	simm.s32 $0x4;
	[dreg:$0x9] =	wrdreg s0  }
.LBB2_4:
0x18: {  	_ =	swait.ge [sflag:s26], $0x4000  }
0x19: {  	[sflag:s26] =	ssyncset.done $0x0  }
0x1a: {  	[sflag:s26] =	ssyncadd.s32 $0xFFFFC000  }
0x1b: {  	_ =	swait.ge [sflag:s28], $0x4000  }
0x1c: {  	[sflag:s28] =	ssyncset.done $0x0  }
0x1d: {  	[sflag:s28] =	ssyncadd.s32 $0xFFFFC000  }
0x1e: {  	_ =	swait.ge [sflag:s29], $0x4000  }
0x1f: {  	[sflag:s29] =	ssyncset.done $0x0  }
0x20: {  	[sflag:s29] =	ssyncadd.s32 $0xFFFFC000  }
0x21: {  	_ =	swait.ge [sflag:s30], $0x4000  }
0x22: {  	s31 =	sadd.s32 $0x1, s31;
	s0 =	rddreg [dreg:$0x7]  }
0x23: {  	p0 =	sne.s32 s31, s0  }
.Ltmp1:
0x24: {  	_ = 	snop;
	(pc) =	sbr.rel @!p0 .LBB2_5-.Ltmp1, $3  }
0x25: {  	_ =	sdelay $0x1  }
0x26: {  	[sflag:s30] =	ssyncset.done $0x0  }
0x27: {  	[sflag:s30] =	ssyncadd.s32 $0xFFFFC000  }
.LBB2_1:
0x28: {  	s0 =	rddreg [dreg:$0x3]  }
0x29: {  	[tilespmem:s2], [sflag:$0x9] =	stream.linear.gather [hbm4b:s0+s2], $0x80, $0x38;
	[tilespmem:$0x10200] =	vst v63  }
0x2a: {  	_ =	swait.ge [sflag:s14], $0x80  }
0x2b: {  	[sflag:s14] =	ssyncset.done $0x0  }
0x2c: {  	[sflag:s14] =	ssyncadd.s32 $0xFFFFFF80  }
0x2d: {  	[tilespmem:s16], [sflag:$0x1] =	stream.indirect.gather [hbm4b:s3+s15], $0x80, s2, s15, $0xb8;
	[tilespmem:$0x10200] =	vst v63  }
0x2e: {  	s11 =	rddreg [dreg:$0x4]  }
0x2f: {  	[tilespmem:s15], [sflag:$0x9] =	stream.linear.gather [hbm4b:s11+s2], $0x80, $0x38;
	[tilespmem:$0x10200] =	vst v63  }
0x30: {  	_ =	swait.ge [sflag:s14], $0x80  }
0x31: {  	[sflag:s14] =	ssyncset.done $0x0  }
0x32: {  	[sflag:s14] =	ssyncadd.s32 $0xFFFFFF80  }
0x33: {  	[tilespmem:s17], [sflag:$0x2] =	stream.indirect.gather [hbm4b:s3+s15], $0x80, s15, s15, $0xb8;
	[tilespmem:$0x10200] =	vst v63  }
0x34: {  	s12 =	rddreg [dreg:$0x5]  }
0x35: {  	[tilespmem:s18], [sflag:$0x9] =	stream.linear.gather [hbm4b:s12+s2], $0x80, $0x38;
	[tilespmem:$0x10200] =	vst v63  }
0x36: {  	_ =	swait.ge [sflag:s14], $0x80  }
0x37: {  	[sflag:s14] =	ssyncset.done $0x0  }
0x38: {  	[sflag:s14] =	ssyncadd.s32 $0xFFFFFF80  }
0x39: {  	[tilespmem:s19], [sflag:$0x3] =	stream.indirect.gather [hbm4b:s3+s15], $0x80, s18, s15, $0xb8;
	[tilespmem:$0x10200] =	vst v63  }
0x3a: {  	s13 =	rddreg [dreg:$0x6]  }
0x3b: {  	[tilespmem:s20], [sflag:$0x9] =	stream.linear.gather [hbm4b:s13+s2], $0x80, $0x38;
	[tilespmem:$0x10200] =	vst v63  }
0x3c: {  	_ =	swait.ge [sflag:s14], $0x80  }
0x3d: {  	s12 =	rddreg [dreg:$0xa]  }
0x3e: {  	s7 =	simm.s32 $0x0;
	[sflag:s14] =	ssyncset.done $0x0;
	s11 =	rddreg [dreg:$0x9]  }
0x3f: {  	s13 =	smov.u32 s1;
	s10 =	rddreg [dreg:$0x8];
	[sflag:s14] =	ssyncadd.s32 $0xFFFFFF80  }
0x40: {  	[tilespmem:s21], [sflag:$0x4] =	stream.indirect.gather [hbm4b:s3+s15], $0x80, s20, s15, $0xb8;
	[tilespmem:$0x10200] =	vst v63  }
.LBB2_2:
0x41: {  	_ =	swait.ge [sflag:s22], $0x4000  }
0x42: {  	[sflag:s22] =	ssyncset.done $0x0  }
0x43: {  	s8 =	sadd.s32 s7, s9;
	p0 =	seq.s32 s7, $0x62000;
	[sflag:s22] =	ssyncadd.s32 $0xFFFFC000  }
0x44: {  	[hbm4b:s8+s2] =	stream.linear.scatter [tilespmem:s16], [sflag:$0x5], $0x4000, $0x38;
	[tilespmem:$0x10200] =	vst v63  }
0x45: {  	s4 =	simm.s32 @!p0 $0x0;
	s6 =	simm.s32 @!p0 $0x9  }
0x46: {  	[tilespmem:s4], [sflag:$0x9] =	stream.linear.gather @!p0 [hbm4b:s13+s4], $0x80, $0x38;
	[tilespmem:$0x10200] =	vst v63  }
0x47: {  	_ =	swait.ge @!p0 [sflag:s6], $0x80  }
0x48: {  	[sflag:s6] =	ssyncset.done @!p0 $0x0  }
0x49: {  	s5 =	simm.s32 @!p0 $0x5;
	[sflag:s6] =	ssyncadd.s32 @!p0 $0xFFFFFF80  }
0x4a: {  	_ =	swait.ge @!p0 [sflag:s5], $0x4000  }
0x4b: {  	[sflag:s5] =	ssyncset.done @!p0 $0x0  }
0x4c: {  	s0 =	simm.s32 @!p0 $0x200;
	[sflag:s5] =	ssyncadd.s32 @!p0 $0xFFFFC000;
	s5 =	simm.s32 @!p0 $0x80  }
0x4d: {  	[tilespmem:s0], [sflag:$0x1] =	stream.indirect.gather @!p0 [hbm4b:s3+s5], $0x80, s4, s5, $0xb8;
	[tilespmem:$0x10200] =	vst v63  }
0x4e: {  	_ =	swait.ge [sflag:s23], $0x4000  }
0x4f: {  	[sflag:s23] =	ssyncset.done $0x0  }
0x50: {  	s0 =	sadd.s32 $0x800, s8;
	[sflag:s23] =	ssyncadd.s32 $0xFFFFC000  }
0x51: {  	[hbm4b:s0+s2] =	stream.linear.scatter [tilespmem:s17], [sflag:$0x6], $0x4000, $0x38;
	[tilespmem:$0x10200] =	vst v63  }
0x52: {  	_ = 	snop  }
0x53: {  	[tilespmem:s5], [sflag:$0x9] =	stream.linear.gather @!p0 [hbm4b:s11+s4], $0x80, $0x38;
	[tilespmem:$0x10200] =	vst v63  }
0x54: {  	_ =	swait.ge @!p0 [sflag:s6], $0x80  }
0x55: {  	[sflag:s6] =	ssyncset.done @!p0 $0x0  }
0x56: {  	s0 =	simm.s32 @!p0 $0x6;
	[sflag:s6] =	ssyncadd.s32 @!p0 $0xFFFFFF80  }
0x57: {  	_ =	swait.ge @!p0 [sflag:s0], $0x4000  }
0x58: {  	[sflag:s0] =	ssyncset.done @!p0 $0x0  }
0x59: {  	[sflag:s0] =	ssyncadd.s32 @!p0 $0xFFFFC000;
	s0 =	simm.s32 @!p0 $0x4200  }
0x5a: {  	[tilespmem:s0], [sflag:$0x2] =	stream.indirect.gather @!p0 [hbm4b:s3+s5], $0x80, s5, s5, $0xb8;
	[tilespmem:$0x10200] =	vst v63  }
0x5b: {  	_ =	swait.ge [sflag:s24], $0x4000  }
0x5c: {  	[sflag:s24] =	ssyncset.done $0x0  }
0x5d: {  	s0 =	sadd.s32 $0x1000, s8;
	[sflag:s24] =	ssyncadd.s32 $0xFFFFC000  }
0x5e: {  	[hbm4b:s0+s2] =	stream.linear.scatter [tilespmem:s19], [sflag:$0x7], $0x4000, $0x38;
	[tilespmem:$0x10200] =	vst v63  }
0x5f: {  	s0 =	simm.s32 @!p0 $0x100  }
0x60: {  	[tilespmem:s0], [sflag:$0x9] =	stream.linear.gather @!p0 [hbm4b:s10+s4], $0x80, $0x38;
	[tilespmem:$0x10200] =	vst v63  }
0x61: {  	_ =	swait.ge @!p0 [sflag:s6], $0x80  }
0x62: {  	[sflag:s6] =	ssyncset.done @!p0 $0x0  }
0x63: {  	s4 =	simm.s32 @!p0 $0x7;
	[sflag:s6] =	ssyncadd.s32 @!p0 $0xFFFFFF80  }
0x64: {  	_ =	swait.ge @!p0 [sflag:s4], $0x4000  }
0x65: {  	[sflag:s4] =	ssyncset.done @!p0 $0x0  }
0x66: {  	[sflag:s4] =	ssyncadd.s32 @!p0 $0xFFFFC000;
	s4 =	simm.s32 @!p0 $0x8200  }
0x67: {  	[tilespmem:s4], [sflag:$0x3] =	stream.indirect.gather @!p0 [hbm4b:s3+s5], $0x80, s0, s5, $0xb8;
	[tilespmem:$0x10200] =	vst v63  }
.Ltmp2:
0x68: {  	_ = 	snop;
	(pc) =	sbr.rel @p0 .LBB2_4-.Ltmp2, $4  }
0x69: {  	_ =	swait.ge [sflag:s25], $0x4000  }
0x6a: {  	[sflag:s25] =	ssyncset.done $0x0  }
0x6b: {  	s8 =	sadd.s32 $0x1800, s8;
	[sflag:s25] =	ssyncadd.s32 $0xFFFFC000  }
0x6c: {  	[hbm4b:s8+s2] =	stream.linear.scatter [tilespmem:s21], [sflag:$0x8], $0x4000, $0x38;
	[tilespmem:$0x10200] =	vst v63  }
0x6d: {  	[tilespmem:s20], [sflag:$0x9] =	stream.linear.gather [hbm4b:s12+s2], $0x80, $0x38;
	[tilespmem:$0x10200] =	vst v63  }
0x6e: {  	_ =	swait.ge [sflag:s14], $0x80  }
0x6f: {  	[sflag:s14] =	ssyncset.done $0x0  }
.Ltmp3:
0x70: {  	[sflag:s14] =	ssyncadd.s32 $0xFFFFFF80;
	(pc) =	sbr.rel .LBB2_2-.Ltmp3, $4  }
0x71: {  	s7 =	sadd.s32 $0x2000, s7;
	_ =	swait.ge [sflag:s30], $0x4000  }
0x72: {  	s10 =	sadd.s32 $0x40, s10;
	s11 =	sadd.s32 $0x40, s11;
	[sflag:s30] =	ssyncset.done $0x0  }
0x73: {  	s12 =	sadd.s32 $0x40, s12;
	s13 =	sadd.s32 $0x40, s13;
	[sflag:s30] =	ssyncadd.s32 $0xFFFFC000  }
0x74: {  	[tilespmem:s21], [sflag:$0x4] =	stream.indirect.gather [hbm4b:s3+s15], $0x80, s20, s15, $0xb8;
	[tilespmem:$0x10200] =	vst v63  }
.LBB2_5:
0x75: {  	_ =	sfence.sel $0x180000  }
0x76: {  	[bflag:$0x0] =	sbarrier.arrive $0xFFFF  }
0x77: {  	_ =	strace $0x90000047  }
0x78: {  	s0 =	stileid.u32;
	[bflag:$0x2] =	sbarrier.arrive $0xFFFF  }
0x79: {  	p0 =	sne.s32 s0, $0x0;
	s0 =	rddreg [dreg:$0x2]  }
0x7a: {  	s0 =	sadd.s32 @!p0 $0x100000, s0  }
0x7b: {  	[sflag:s0] =	ssyncadd.tile.s32 @!p0 $0x1;
	_ =	shalt  }
.Lfunc_end2:
_tile_overlayer_lowered:
.L_overlay_start_2:
0x7c: {  	(tag) =	ssettag $0x2  }
0x7d: {  	s0 =	rddreg [dreg:$0x0];
	s2 =	stileid.u32  }
0x7e: {  	s1 =	rddreg [dreg:$0x1];
	p0 =	sne.s32 s2, $0x0  }
0x7f: {  	s3 =	rddreg [dreg:$0x2];
	[bflag:$0x3] =	sbarrier.arrive $0xFFFF;
	s2 =	simm.s32 @!p0 $0x1C09  }
0x80: {  	[timem:s3], [sflag:s2] =	dma.local @!p0 [hbm:s0], s1  }
0x81: {  	s0 =	simm.s32 @!p0 $0x9  }
0x82: {  	_ =	swait.ge @!p0 [sflag:s0], s1  }
0x83: {  	s1 =	ssub.s32 @!p0 $0x0, s1;
	[sflag:s0] =	ssyncset.done @!p0 $0x0  }
0x84: {  	[sflag:s0] =	ssyncadd.s32 @!p0 s1  }
0x85: {  	[bflag:$0x3] =	sbarrier.arrive $0xFFFF  }
0x86: {  	_ =	shalt  }

</sc_bundles>
